<compile_context>
chip_gen: v7x
topology: tpu7x:2x2x1
jax: 0.10.2.dev20260603
libtpu: 0.0.44.dev20260713+nightly
codegen_flags: <defaults>
</compile_context>

<pallas_src>
import functools

import jax
import jax.numpy as jnp
from jax import lax
from jax.experimental import pallas as pl
from jax.experimental.pallas import tpu as pltpu
from jax.experimental.pallas import tpu_sc as plsc

N = 10000
E = 320000
D = 128
H = 128
T = 8
G = 128

NC = 2
NS = 16
NW = NC * NS
CHUNK = 128
EPT = E // NW
NCHUNK = -(-EPT // CHUNK)
EPT_PAD = NCHUNK * CHUNK
E_PAD = EPT_PAD * NW
ROWS_PER_TILE = 632
ACC_ROWS = ROWS_PER_TILE * NS
DEG_W = 128
BATW = 16
BR = 1000


def _sc_degree(dst3, zeros_deg, ones_deg):
    mesh = plsc.VectorSubcoreMesh(core_axis_name="c", subcore_axis_name="s")

    @functools.partial(
        pl.kernel,
        mesh=mesh,
        out_type=jax.ShapeDtypeStruct((NC, ACC_ROWS, DEG_W), jnp.float32),
        scratch_types=[
            pltpu.VMEM((NCHUNK, CHUNK), jnp.int32),
            pltpu.VMEM((CHUNK, DEG_W), jnp.float32),
            pltpu.VMEM_SHARED((ACC_ROWS, DEG_W), jnp.float32),
            pltpu.SemaphoreType.DMA,
        ],
    )
    def k(dst_hbm, z_hbm, o_hbm, out_hbm, idx_v, ones_v, acc, sem):
        cid = lax.axis_index("c")
        sid = lax.axis_index("s")
        wid = sid * NC + cid
        my_rows = pl.ds(sid * ROWS_PER_TILE, ROWS_PER_TILE)
        pltpu.sync_copy(z_hbm, acc.at[my_rows])
        pltpu.sync_copy(dst_hbm.at[wid], idx_v)
        pltpu.sync_copy(o_hbm, ones_v)
        plsc.subcore_barrier()

        def body(j, carry):
            pltpu.sync_copy(ones_v, acc.at[idx_v.at[j]], add=True)
            return carry

        lax.fori_loop(0, NCHUNK, body, 0)
        plsc.subcore_barrier()
        pltpu.sync_copy(acc.at[my_rows], out_hbm.at[cid, my_rows])

    return k(dst3, zeros_deg, ones_deg)


def _sc_scatter(hs, src3, dst3, zeros_rows):
    mesh = plsc.VectorSubcoreMesh(core_axis_name="c", subcore_axis_name="s")

    @functools.partial(
        pl.kernel,
        mesh=mesh,
        out_type=jax.ShapeDtypeStruct((NC, ACC_ROWS, H), jnp.float32),
        scratch_types=[
            pltpu.VMEM((NCHUNK, CHUNK), jnp.int32),
            pltpu.VMEM((NCHUNK, CHUNK), jnp.int32),
            pltpu.VMEM((CHUNK, H), jnp.float32),
            pltpu.VMEM_SHARED((ACC_ROWS, H), jnp.float32),
            pltpu.SemaphoreType.DMA,
        ],
    )
    def k(hs_hbm, src_hbm, dst_hbm, z_hbm, out_hbm, src_v, dst_v, rows_v, acc, sem):
        cid = lax.axis_index("c")
        sid = lax.axis_index("s")
        wid = sid * NC + cid
        my_rows = pl.ds(sid * ROWS_PER_TILE, ROWS_PER_TILE)
        pltpu.sync_copy(z_hbm, acc.at[my_rows])
        pltpu.sync_copy(src_hbm.at[wid], src_v)
        pltpu.sync_copy(dst_hbm.at[wid], dst_v)
        plsc.subcore_barrier()

        def body(j, carry):
            pltpu.async_copy(hs_hbm.at[src_v.at[j]], rows_v, sem).wait()
            pltpu.sync_copy(rows_v, acc.at[dst_v.at[j]], add=True)
            return carry

        lax.fori_loop(0, NCHUNK, body, 0)
        plsc.subcore_barrier()
        pltpu.sync_copy(acc.at[my_rows], out_hbm.at[cid, my_rows])

    return k(hs, src3, dst3, zeros_rows)


def _tc_matmul(x, W1):

    def body(x_ref, w_ref, out_ref):
        out_ref[...] = jnp.dot(x_ref[...], w_ref[...],
                               preferred_element_type=jnp.float32)

    return pl.pallas_call(
        body,
        grid=(N // BR,),
        in_specs=[
            pl.BlockSpec((BR, D), lambda i: (i, 0)),
            pl.BlockSpec((D, H), lambda i: (0, 0)),
        ],
        out_specs=pl.BlockSpec((BR, H), lambda i: (i, 0)),
        out_shape=jax.ShapeDtypeStruct((N, H), jnp.float32),
    )(x, W1)


def _tc_scale(h1, p0, p1):

    def body(h_ref, p0_ref, p1_ref, hs_ref, dis_ref):
        deg = p0_ref[:, 0:1] + p1_ref[:, 0:1] + 1.0
        dis = lax.rsqrt(deg)
        hs_ref[...] = h_ref[...] * dis
        dis_ref[...] = jnp.broadcast_to(dis, dis_ref.shape)

    return pl.pallas_call(
        body,
        grid=(N // BR,),
        in_specs=[
            pl.BlockSpec((BR, H), lambda i: (i, 0)),
            pl.BlockSpec((BR, DEG_W), lambda i: (i, 0)),
            pl.BlockSpec((BR, DEG_W), lambda i: (i, 0)),
        ],
        out_specs=[
            pl.BlockSpec((BR, H), lambda i: (i, 0)),
            pl.BlockSpec((BR, H), lambda i: (i, 0)),
        ],
        out_shape=[
            jax.ShapeDtypeStruct((N, H), jnp.float32),
            jax.ShapeDtypeStruct((N, H), jnp.float32),
        ],
    )(h1, p0, p1)


def _tc_mid(q0, q1, hs1, dis2d, b1r, W2):

    def body(q0_ref, q1_ref, hs_ref, dis_ref, b_ref, w_ref, out_ref):
        t = q0_ref[...] + q1_ref[...] + hs_ref[...]
        t = jnp.maximum(dis_ref[...] * t + b_ref[...], 0.0)
        h2 = jnp.dot(t, w_ref[...], preferred_element_type=jnp.float32)
        out_ref[...] = h2 * dis_ref[...]

    return pl.pallas_call(
        body,
        grid=(N // BR,),
        in_specs=[
            pl.BlockSpec((BR, H), lambda i: (i, 0)),
            pl.BlockSpec((BR, H), lambda i: (i, 0)),
            pl.BlockSpec((BR, H), lambda i: (i, 0)),
            pl.BlockSpec((BR, H), lambda i: (i, 0)),
            pl.BlockSpec((1, H), lambda i: (0, 0)),
            pl.BlockSpec((H, H), lambda i: (0, 0)),
        ],
        out_specs=pl.BlockSpec((BR, H), lambda i: (i, 0)),
        out_shape=jax.ShapeDtypeStruct((N, H), jnp.float32),
    )(q0, q1, hs1, dis2d, b1r, W2)


def _tc_final(q0, q1, hs2, dis2d, b2r, batchw, Wfc, bfcr, Whr, bhr):
    nsteps = N // BR

    def body(q0_ref, q1_ref, hs_ref, dis_ref, b_ref, batch_ref,
             wfc_ref, bfc_ref, wh_ref, bh_ref, out_ref, psum, cnt):
        step = pl.program_id(0)

        @pl.when(step == 0)
        def _():
            psum[...] = jnp.zeros_like(psum)
            cnt[...] = jnp.zeros_like(cnt)

        o = q0_ref[...] + q1_ref[...] + hs_ref[...]
        o = jnp.maximum(dis_ref[...] * o + b_ref[...], 0.0)
        bidx = batch_ref[:, 0:1]
        gids = lax.broadcasted_iota(jnp.int32, (1, G), 1)
        onehot = (bidx == gids).astype(jnp.float32)
        psum[...] += lax.dot_general(
            onehot, o, (((0,), (0,)), ((), ())),
            preferred_element_type=jnp.float32)
        cnt[...] += lax.dot_general(
            onehot, jnp.ones((BR, H), jnp.float32), (((0,), (0,)), ((), ())),
            preferred_element_type=jnp.float32)

        @pl.when(step == nsteps - 1)
        def _():
            pooled = psum[...] / jnp.maximum(cnt[...], 1.0)
            z = jnp.dot(pooled, wfc_ref[...], preferred_element_type=jnp.float32)
            z = jnp.maximum(z + bfc_ref[...], 0.0)
            out_ref[...] = jnp.dot(
                z, wh_ref[...], preferred_element_type=jnp.float32) + bh_ref[...]

    return pl.pallas_call(
        body,
        grid=(nsteps,),
        in_specs=[
            pl.BlockSpec((BR, H), lambda i: (i, 0)),
            pl.BlockSpec((BR, H), lambda i: (i, 0)),
            pl.BlockSpec((BR, H), lambda i: (i, 0)),
            pl.BlockSpec((BR, H), lambda i: (i, 0)),
            pl.BlockSpec((1, H), lambda i: (0, 0)),
            pl.BlockSpec((BR, BATW), lambda i: (i, 0)),
            pl.BlockSpec((H, H), lambda i: (0, 0)),
            pl.BlockSpec((1, H), lambda i: (0, 0)),
            pl.BlockSpec((H, T * 2), lambda i: (0, 0)),
            pl.BlockSpec((1, T * 2), lambda i: (0, 0)),
        ],
        out_specs=pl.BlockSpec((G, T * 2), lambda i: (0, 0)),
        out_shape=jax.ShapeDtypeStruct((G, T * 2), jnp.float32),
        scratch_shapes=[
            pltpu.VMEM((G, H), jnp.float32),
            pltpu.VMEM((G, H), jnp.float32),
        ],
    )(q0, q1, hs2, dis2d, b2r, batchw, Wfc, bfcr, Whr, bhr)


def kernel(x, edge_index, batch, W1, b1, W2, b2, Wfc, bfc, Wh, bh):
    pad = E_PAD - E
    src3 = jnp.concatenate(
        [edge_index[0], jnp.zeros((pad,), jnp.int32)]).reshape(NW, NCHUNK, CHUNK)
    dst3 = jnp.concatenate(
        [edge_index[1], jnp.full((pad,), N, jnp.int32)]).reshape(NW, NCHUNK, CHUNK)
    zeros_deg = jnp.zeros((ROWS_PER_TILE, DEG_W), jnp.float32)
    ones_deg = jnp.ones((CHUNK, DEG_W), jnp.float32)
    zeros_rows = jnp.zeros((ROWS_PER_TILE, H), jnp.float32)

    degp = _sc_degree(dst3, zeros_deg, ones_deg)
    h1 = _tc_matmul(x, W1)
    hs1, dis2d = _tc_scale(h1, degp[0, :N, :], degp[1, :N, :])
    m1 = _sc_scatter(hs1, src3, dst3, zeros_rows)
    hs2 = _tc_mid(m1[0, :N, :], m1[1, :N, :], hs1, dis2d,
                  b1.reshape(1, H), W2)
    m2 = _sc_scatter(hs2, src3, dst3, zeros_rows)
    batchw = jnp.broadcast_to(batch[:, None], (N, BATW))
    Whr = Wh.transpose(1, 0, 2).reshape(H, T * 2)
    outf = _tc_final(m2[0, :N, :], m2[1, :N, :], hs2, dis2d,
                     b2.reshape(1, H), batchw, Wfc, bfc.reshape(1, H),
                     Whr, bh.reshape(1, T * 2))
    return outf.reshape(G, T, 2).transpose(1, 0, 2)

# --- scband reference (transcript-rebuilt; emitter-appended) ---
"""Pipeline reference for scband-multi-task-gnn-51092930953620 (READ-ONLY COPY).

The authoritative reference and input builder live on the scoring server;
editing this copy changes nothing except your own understanding.
"""

import jax, jax.numpy as jnp
import numpy as np

N = 10000
E = 320000
D = 128
H = 128
T = 8
G = 128


def setup_inputs(seed: int = 0) -> dict:
    key = jax.random.key(seed)
    ks = jax.random.split(key, 12)
    x = jax.random.normal(ks[0], (N, D), dtype=jnp.float32)
    edge_index = jax.random.randint(ks[1], (2, E), 0, N, dtype=jnp.int32)
    batch = jnp.sort(jax.random.randint(ks[2], (N,), 0, G, dtype=jnp.int32))
    W1 = jax.random.normal(ks[3], (D, H), dtype=jnp.float32) * (1.0 / np.sqrt(D))
    b1 = jnp.zeros((H,), dtype=jnp.float32)
    W2 = jax.random.normal(ks[4], (H, H), dtype=jnp.float32) * (1.0 / np.sqrt(H))
    b2 = jnp.zeros((H,), dtype=jnp.float32)
    Wfc = jax.random.normal(ks[5], (H, H), dtype=jnp.float32) * (1.0 / np.sqrt(H))
    bfc = jnp.zeros((H,), dtype=jnp.float32)
    Wh = jax.random.normal(ks[6], (T, H, 2), dtype=jnp.float32) * (1.0 / np.sqrt(H))
    bh = jnp.zeros((T, 2), dtype=jnp.float32)
    return {"x": x, "edge_index": edge_index, "batch": batch,
            "W1": W1, "b1": b1, "W2": W2, "b2": b2,
            "Wfc": Wfc, "bfc": bfc, "Wh": Wh, "bh": bh}


def _gcn_conv(x, src, dst, W, b):
    n = x.shape[0]
    h = x @ W
    ones = jnp.ones_like(dst, dtype=h.dtype)
    deg = jax.ops.segment_sum(ones, dst, num_segments=n)
    dis = jnp.where(deg > 0, 1.0 / jnp.sqrt(jnp.maximum(deg, 1e-12)), 0.0)
    norm = dis[src] * dis[dst]
    msg = h[src] * norm[:, None]
    out = jax.ops.segment_sum(msg, dst, num_segments=n)
    return out + b


def reference(x, edge_index, batch, W1, b1, W2, b2, Wfc, bfc, Wh, bh):
    n = x.shape[0]
    loop = jnp.arange(n, dtype=edge_index.dtype)
    src = jnp.concatenate([edge_index[0], loop])
    dst = jnp.concatenate([edge_index[1], loop])
    h = jax.nn.relu(_gcn_conv(x, src, dst, W1, b1))
    h = jax.nn.relu(_gcn_conv(h, src, dst, W2, b2))
    pooled_sum = jax.ops.segment_sum(h, batch, num_segments=G)
    counts = jax.ops.segment_sum(jnp.ones((n,), dtype=h.dtype), batch, num_segments=G)
    pooled = pooled_sum / jnp.maximum(counts, 1.0)[:, None]
    z = jax.nn.relu(pooled @ Wfc + bfc)
    out = jnp.einsum('gh,tho->tgo', z, Wh) + bh[:, None, :]
    return out

if __name__ == "__main__":
    import jax
    _d = setup_inputs()
    print(jax.jit(kernel)(*tuple(_d.values())))

</pallas_src>

<mosaic_0001>
#map = affine_map<(d0, d1) -> (0, 0)>
#map1 = affine_map<(d0, d1) -> (0, 0, 0)>
module attributes {stable_mosaic.version = 14 : i64} {
  func.func @k(%arg0: i32, %arg1: i32, %arg2: memref<10000x128xf32, #tpu.memory_space<hbm>>, %arg3: memref<32x79x128xi32, #tpu.memory_space<hbm>>, %arg4: memref<32x79x128xi32, #tpu.memory_space<hbm>>, %arg5: memref<632x128xf32, #tpu.memory_space<hbm>>, %arg6: memref<2x10112x128xf32, #tpu.memory_space<hbm>>, %arg7: memref<79x128xi32, #tpu.memory_space<vmem>>, %arg8: memref<79x128xi32, #tpu.memory_space<vmem>>, %arg9: memref<128x128xf32, #tpu.memory_space<vmem>>, %arg10: memref<10112x128xf32, #tpu.memory_space<vmem_shared>>, %arg11: memref<!tpu.dma_semaphore, #tpu.memory_space<semaphore_mem>>) attributes {dimension_semantics = [#tpu.dimension_semantics<core_parallel>, #tpu.dimension_semantics<subcore_parallel>], iteration_bounds = array<i64: 2, 16>, scalar_prefetch = 0 : i64, scratch_operands = 5 : i64, tpu.core_type = #tpu.core_type<sc_vector_subcore>, window_params = [{transform_indices = #map}, {transform_indices = #map1}, {transform_indices = #map1}, {transform_indices = #map}, {transform_indices = #map1}]} {
    %mul3A = arith.constant 2 : i32
    %mul3A_0 = arith.muli %arg1, %mul3A : i32
    %add3A = arith.addi %mul3A_0, %arg0 : i32
    %mul3A_1 = arith.constant 632 : i32
    %mul3A_2 = arith.muli %arg1, %mul3A_1 : i32
    "tpu.region"() ({
      %run_scoped3A = tpu.sem_alloc : memref<!tpu.dma_semaphore, #tpu.memory_space<semaphore_mem>>
      %dma_start3A = arith.constant 0 : i32
      %dma_start3A_9 = tpu.memref_slice %arg10[%mul3A_2, %dma_start3A] : memref<10112x128xf32, #tpu.memory_space<vmem_shared>> -> memref<632x128xf32, #tpu.memory_space<vmem_shared>>
      tpu.enqueue_dma source(%arg5 : memref<632x128xf32, #tpu.memory_space<hbm>>) target(%dma_start3A_9 : memref<632x128xf32, #tpu.memory_space<vmem_shared>>) target_semaphore(%run_scoped3A : memref<!tpu.dma_semaphore, #tpu.memory_space<semaphore_mem>>)
      %dma_wait3A = arith.constant 0 : i32
      %dma_wait3A_10 = tpu.memref_slice %arg10[%mul3A_2, %dma_wait3A] : memref<10112x128xf32, #tpu.memory_space<vmem_shared>> -> memref<632x128xf32, #tpu.memory_space<vmem_shared>>
      tpu.wait_dma2 semaphore(%run_scoped3A : memref<!tpu.dma_semaphore, #tpu.memory_space<semaphore_mem>>) src(%arg5 : memref<632x128xf32, #tpu.memory_space<hbm>>) dst(%dma_wait3A_10 : memref<632x128xf32, #tpu.memory_space<vmem_shared>>)
      tpu.yield
    }) : () -> ()
    "tpu.region"() ({
      %run_scoped3A = tpu.sem_alloc : memref<!tpu.dma_semaphore, #tpu.memory_space<semaphore_mem>>
      %dma_start3A = arith.constant 0 : i32
      %dma_start3A_9 = arith.constant 0 : i32
      %dma_start3A_10 = tpu.memref_slice %arg3[%add3A, %dma_start3A, %dma_start3A_9] : memref<32x79x128xi32, #tpu.memory_space<hbm>> -> memref<1x79x128xi32, #tpu.memory_space<hbm>>
      %dma_start3A_11 = tpu.memref_squeeze %dma_start3A_10 : memref<1x79x128xi32, #tpu.memory_space<hbm>> -> memref<79x128xi32, #tpu.memory_space<hbm>>
      %dma_start3A_12 = arith.constant 0 : i32
      %dma_start3A_13 = arith.constant 0 : i32
      %dma_start3A_14 = tpu.memref_slice %arg3[%add3A, %dma_start3A_12, %dma_start3A_13] : memref<32x79x128xi32, #tpu.memory_space<hbm>> -> memref<1x79x128xi32, #tpu.memory_space<hbm>>
      %dma_start3A_15 = tpu.memref_squeeze %dma_start3A_14 : memref<1x79x128xi32, #tpu.memory_space<hbm>> -> memref<79x128xi32, #tpu.memory_space<hbm>>
      tpu.enqueue_dma source(%dma_start3A_15 : memref<79x128xi32, #tpu.memory_space<hbm>>) target(%arg7 : memref<79x128xi32, #tpu.memory_space<vmem>>) target_semaphore(%run_scoped3A : memref<!tpu.dma_semaphore, #tpu.memory_space<semaphore_mem>>)
      %dma_wait3A = arith.constant 0 : i32
      %dma_wait3A_16 = arith.constant 0 : i32
      %dma_wait3A_17 = tpu.memref_slice %arg3[%add3A, %dma_wait3A, %dma_wait3A_16] : memref<32x79x128xi32, #tpu.memory_space<hbm>> -> memref<1x79x128xi32, #tpu.memory_space<hbm>>
      %dma_wait3A_18 = tpu.memref_squeeze %dma_wait3A_17 : memref<1x79x128xi32, #tpu.memory_space<hbm>> -> memref<79x128xi32, #tpu.memory_space<hbm>>
      %dma_wait3A_19 = arith.constant 0 : i32
      %dma_wait3A_20 = arith.constant 0 : i32
      %dma_wait3A_21 = tpu.memref_slice %arg3[%add3A, %dma_wait3A_19, %dma_wait3A_20] : memref<32x79x128xi32, #tpu.memory_space<hbm>> -> memref<1x79x128xi32, #tpu.memory_space<hbm>>
      %dma_wait3A_22 = tpu.memref_squeeze %dma_wait3A_21 : memref<1x79x128xi32, #tpu.memory_space<hbm>> -> memref<79x128xi32, #tpu.memory_space<hbm>>
      tpu.wait_dma2 semaphore(%run_scoped3A : memref<!tpu.dma_semaphore, #tpu.memory_space<semaphore_mem>>) src(%dma_wait3A_22 : memref<79x128xi32, #tpu.memory_space<hbm>>) dst(%arg7 : memref<79x128xi32, #tpu.memory_space<vmem>>)
      tpu.yield
    }) : () -> ()
    "tpu.region"() ({
      %run_scoped3A = tpu.sem_alloc : memref<!tpu.dma_semaphore, #tpu.memory_space<semaphore_mem>>
      %dma_start3A = arith.constant 0 : i32
      %dma_start3A_9 = arith.constant 0 : i32
      %dma_start3A_10 = tpu.memref_slice %arg4[%add3A, %dma_start3A, %dma_start3A_9] : memref<32x79x128xi32, #tpu.memory_space<hbm>> -> memref<1x79x128xi32, #tpu.memory_space<hbm>>
      %dma_start3A_11 = tpu.memref_squeeze %dma_start3A_10 : memref<1x79x128xi32, #tpu.memory_space<hbm>> -> memref<79x128xi32, #tpu.memory_space<hbm>>
      %dma_start3A_12 = arith.constant 0 : i32
      %dma_start3A_13 = arith.constant 0 : i32
      %dma_start3A_14 = tpu.memref_slice %arg4[%add3A, %dma_start3A_12, %dma_start3A_13] : memref<32x79x128xi32, #tpu.memory_space<hbm>> -> memref<1x79x128xi32, #tpu.memory_space<hbm>>
      %dma_start3A_15 = tpu.memref_squeeze %dma_start3A_14 : memref<1x79x128xi32, #tpu.memory_space<hbm>> -> memref<79x128xi32, #tpu.memory_space<hbm>>
      tpu.enqueue_dma source(%dma_start3A_15 : memref<79x128xi32, #tpu.memory_space<hbm>>) target(%arg8 : memref<79x128xi32, #tpu.memory_space<vmem>>) target_semaphore(%run_scoped3A : memref<!tpu.dma_semaphore, #tpu.memory_space<semaphore_mem>>)
      %dma_wait3A = arith.constant 0 : i32
      %dma_wait3A_16 = arith.constant 0 : i32
      %dma_wait3A_17 = tpu.memref_slice %arg4[%add3A, %dma_wait3A, %dma_wait3A_16] : memref<32x79x128xi32, #tpu.memory_space<hbm>> -> memref<1x79x128xi32, #tpu.memory_space<hbm>>
      %dma_wait3A_18 = tpu.memref_squeeze %dma_wait3A_17 : memref<1x79x128xi32, #tpu.memory_space<hbm>> -> memref<79x128xi32, #tpu.memory_space<hbm>>
      %dma_wait3A_19 = arith.constant 0 : i32
      %dma_wait3A_20 = arith.constant 0 : i32
      %dma_wait3A_21 = tpu.memref_slice %arg4[%add3A, %dma_wait3A_19, %dma_wait3A_20] : memref<32x79x128xi32, #tpu.memory_space<hbm>> -> memref<1x79x128xi32, #tpu.memory_space<hbm>>
      %dma_wait3A_22 = tpu.memref_squeeze %dma_wait3A_21 : memref<1x79x128xi32, #tpu.memory_space<hbm>> -> memref<79x128xi32, #tpu.memory_space<hbm>>
      tpu.wait_dma2 semaphore(%run_scoped3A : memref<!tpu.dma_semaphore, #tpu.memory_space<semaphore_mem>>) src(%dma_wait3A_22 : memref<79x128xi32, #tpu.memory_space<hbm>>) dst(%arg8 : memref<79x128xi32, #tpu.memory_space<vmem>>)
      tpu.yield
    }) : () -> ()
    %barrier3A = arith.constant 0 : index
    tpu.barrier barrier_id(%barrier3A)
    %scan3A = arith.constant 0 : i32
    %scan3A_3 = arith.constant 0 : i32
    %scan3A_4 = arith.constant 79 : i32
    %scan3A_5 = arith.addi %scan3A_3, %scan3A_4 : i32
    %scan3A_6 = arith.constant 1 : i32
    scf.for %scan3A_9 = %scan3A_3 to %scan3A_5 step %scan3A_6  : i32 {
      %dma_start3A = arith.constant 0 : i32
      %dma_start3A_10 = tpu.memref_slice %arg7[%scan3A_9, %dma_start3A] : memref<79x128xi32, #tpu.memory_space<vmem>> -> memref<1x128xi32, #tpu.memory_space<vmem>>
      %dma_start3A_11 = tpu.memref_squeeze %dma_start3A_10 : memref<1x128xi32, #tpu.memory_space<vmem>> -> memref<128xi32, #tpu.memory_space<vmem>>
      %dma_start3A_12 = arith.constant 0 : i32
      %dma_start3A_13 = arith.constant 0 : i32
      %dma_start3A_14 = tpu.memref_slice %arg2[%dma_start3A_12, %dma_start3A_13] : memref<10000x128xf32, #tpu.memory_space<hbm>> -> memref<10000x128xf32, #tpu.memory_space<hbm>>
      tpu.enqueue_indirect_dma source(%dma_start3A_14 : memref<10000x128xf32, #tpu.memory_space<hbm>>) target(%arg9 : memref<128x128xf32, #tpu.memory_space<vmem>>) offsets(%dma_start3A_11 : memref<128xi32, #tpu.memory_space<vmem>>) semaphore(%arg11 : memref<!tpu.dma_semaphore, #tpu.memory_space<semaphore_mem>>)
      %dma_wait3A = arith.constant 0 : i32
      %dma_wait3A_15 = tpu.memref_slice %arg7[%scan3A_9, %dma_wait3A] : memref<79x128xi32, #tpu.memory_space<vmem>> -> memref<1x128xi32, #tpu.memory_space<vmem>>
      %dma_wait3A_16 = tpu.memref_squeeze %dma_wait3A_15 : memref<1x128xi32, #tpu.memory_space<vmem>> -> memref<128xi32, #tpu.memory_space<vmem>>
      %dma_wait3A_17 = arith.constant 0 : i32
      %dma_wait3A_18 = arith.constant 0 : i32
      %dma_wait3A_19 = tpu.memref_slice %arg2[%dma_wait3A_17, %dma_wait3A_18] : memref<10000x128xf32, #tpu.memory_space<hbm>> -> memref<10000x128xf32, #tpu.memory_space<hbm>>
      tpu.wait_indirect_dma semaphore(%arg11 : memref<!tpu.dma_semaphore, #tpu.memory_space<semaphore_mem>>) src(%dma_wait3A_19 : memref<10000x128xf32, #tpu.memory_space<hbm>>) dst(%arg9 : memref<128x128xf32, #tpu.memory_space<vmem>>)
      "tpu.region"() ({
        %run_scoped3A = tpu.sem_alloc : memref<!tpu.dma_semaphore, #tpu.memory_space<semaphore_mem>>
        %dma_start3A_20 = arith.constant 0 : i32
        %dma_start3A_21 = tpu.memref_slice %arg8[%scan3A_9, %dma_start3A_20] : memref<79x128xi32, #tpu.memory_space<vmem>> -> memref<1x128xi32, #tpu.memory_space<vmem>>
        %dma_start3A_22 = tpu.memref_squeeze %dma_start3A_21 : memref<1x128xi32, #tpu.memory_space<vmem>> -> memref<128xi32, #tpu.memory_space<vmem>>
        %dma_start3A_23 = arith.constant 0 : i32
        %dma_start3A_24 = arith.constant 0 : i32
        %dma_start3A_25 = tpu.memref_slice %arg10[%dma_start3A_23, %dma_start3A_24] : memref<10112x128xf32, #tpu.memory_space<vmem_shared>> -> memref<10112x128xf32, #tpu.memory_space<vmem_shared>>
        tpu.enqueue_indirect_dma source(%arg9 : memref<128x128xf32, #tpu.memory_space<vmem>>) target(%dma_start3A_25 : memref<10112x128xf32, #tpu.memory_space<vmem_shared>>) offsets(%dma_start3A_22 : memref<128xi32, #tpu.memory_space<vmem>>) semaphore(%run_scoped3A : memref<!tpu.dma_semaphore, #tpu.memory_space<semaphore_mem>>) {add = true}
        %dma_wait3A_26 = arith.constant 0 : i32
        %dma_wait3A_27 = tpu.memref_slice %arg8[%scan3A_9, %dma_wait3A_26] : memref<79x128xi32, #tpu.memory_space<vmem>> -> memref<1x128xi32, #tpu.memory_space<vmem>>
        %dma_wait3A_28 = tpu.memref_squeeze %dma_wait3A_27 : memref<1x128xi32, #tpu.memory_space<vmem>> -> memref<128xi32, #tpu.memory_space<vmem>>
        %dma_wait3A_29 = arith.constant 0 : i32
        %dma_wait3A_30 = arith.constant 0 : i32
        %dma_wait3A_31 = tpu.memref_slice %arg10[%dma_wait3A_29, %dma_wait3A_30] : memref<10112x128xf32, #tpu.memory_space<vmem_shared>> -> memref<10112x128xf32, #tpu.memory_space<vmem_shared>>
        tpu.wait_indirect_dma semaphore(%run_scoped3A : memref<!tpu.dma_semaphore, #tpu.memory_space<semaphore_mem>>) src(%arg9 : memref<128x128xf32, #tpu.memory_space<vmem>>) dst(%dma_wait3A_31 : memref<10112x128xf32, #tpu.memory_space<vmem_shared>>)
        tpu.yield
      }) : () -> ()
    }
    %scan3A_7 = arith.constant 79 : i32
    %barrier3A_8 = arith.constant 0 : index
    tpu.barrier barrier_id(%barrier3A_8)
    "tpu.region"() ({
      %run_scoped3A = tpu.sem_alloc : memref<!tpu.dma_semaphore, #tpu.memory_space<semaphore_mem>>
      %dma_start3A = arith.constant 0 : i32
      %dma_start3A_9 = tpu.memref_slice %arg6[%arg0, %mul3A_2, %dma_start3A] : memref<2x10112x128xf32, #tpu.memory_space<hbm>> -> memref<1x632x128xf32, #tpu.memory_space<hbm>>
      %dma_start3A_10 = tpu.memref_squeeze %dma_start3A_9 : memref<1x632x128xf32, #tpu.memory_space<hbm>> -> memref<632x128xf32, #tpu.memory_space<hbm>>
      %dma_start3A_11 = arith.constant 0 : i32
      %dma_start3A_12 = tpu.memref_slice %arg10[%mul3A_2, %dma_start3A_11] : memref<10112x128xf32, #tpu.memory_space<vmem_shared>> -> memref<632x128xf32, #tpu.memory_space<vmem_shared>>
      tpu.enqueue_dma source(%dma_start3A_12 : memref<632x128xf32, #tpu.memory_space<vmem_shared>>) target(%dma_start3A_10 : memref<632x128xf32, #tpu.memory_space<hbm>>) target_semaphore(%run_scoped3A : memref<!tpu.dma_semaphore, #tpu.memory_space<semaphore_mem>>)
      %dma_wait3A = arith.constant 0 : i32
      %dma_wait3A_13 = tpu.memref_slice %arg6[%arg0, %mul3A_2, %dma_wait3A] : memref<2x10112x128xf32, #tpu.memory_space<hbm>> -> memref<1x632x128xf32, #tpu.memory_space<hbm>>
      %dma_wait3A_14 = tpu.memref_squeeze %dma_wait3A_13 : memref<1x632x128xf32, #tpu.memory_space<hbm>> -> memref<632x128xf32, #tpu.memory_space<hbm>>
      %dma_wait3A_15 = arith.constant 0 : i32
      %dma_wait3A_16 = tpu.memref_slice %arg10[%mul3A_2, %dma_wait3A_15] : memref<10112x128xf32, #tpu.memory_space<vmem_shared>> -> memref<632x128xf32, #tpu.memory_space<vmem_shared>>
      tpu.wait_dma2 semaphore(%run_scoped3A : memref<!tpu.dma_semaphore, #tpu.memory_space<semaphore_mem>>) src(%dma_wait3A_16 : memref<632x128xf32, #tpu.memory_space<vmem_shared>>) dst(%dma_wait3A_14 : memref<632x128xf32, #tpu.memory_space<hbm>>)
      tpu.yield
    }) : () -> ()
    return
  }
}

#map = affine_map<(d0, d1) -> (0, 0, 0)>
#map1 = affine_map<(d0, d1) -> (0, 0)>
module attributes {stable_mosaic.version = 14 : i64} {
  func.func @k(%arg0: i32, %arg1: i32, %arg2: memref<32x79x128xi32, #tpu.memory_space<hbm>>, %arg3: memref<632x128xf32, #tpu.memory_space<hbm>>, %arg4: memref<128x128xf32, #tpu.memory_space<hbm>>, %arg5: memref<2x10112x128xf32, #tpu.memory_space<hbm>>, %arg6: memref<79x128xi32, #tpu.memory_space<vmem>>, %arg7: memref<128x128xf32, #tpu.memory_space<vmem>>, %arg8: memref<10112x128xf32, #tpu.memory_space<vmem_shared>>, %arg9: memref<!tpu.dma_semaphore, #tpu.memory_space<semaphore_mem>>) attributes {dimension_semantics = [#tpu.dimension_semantics<core_parallel>, #tpu.dimension_semantics<subcore_parallel>], iteration_bounds = array<i64: 2, 16>, scalar_prefetch = 0 : i64, scratch_operands = 4 : i64, tpu.core_type = #tpu.core_type<sc_vector_subcore>, window_params = [{transform_indices = #map}, {transform_indices = #map1}, {transform_indices = #map1}, {transform_indices = #map}]} {
    %mul3A = arith.constant 2 : i32
    %mul3A_0 = arith.muli %arg1, %mul3A : i32
    %add3A = arith.addi %mul3A_0, %arg0 : i32
    %mul3A_1 = arith.constant 632 : i32
    %mul3A_2 = arith.muli %arg1, %mul3A_1 : i32
    "tpu.region"() ({
      %run_scoped3A = tpu.sem_alloc : memref<!tpu.dma_semaphore, #tpu.memory_space<semaphore_mem>>
      %dma_start3A = arith.constant 0 : i32
      %dma_start3A_9 = tpu.memref_slice %arg8[%mul3A_2, %dma_start3A] : memref<10112x128xf32, #tpu.memory_space<vmem_shared>> -> memref<632x128xf32, #tpu.memory_space<vmem_shared>>
      tpu.enqueue_dma source(%arg3 : memref<632x128xf32, #tpu.memory_space<hbm>>) target(%dma_start3A_9 : memref<632x128xf32, #tpu.memory_space<vmem_shared>>) target_semaphore(%run_scoped3A : memref<!tpu.dma_semaphore, #tpu.memory_space<semaphore_mem>>)
      %dma_wait3A = arith.constant 0 : i32
      %dma_wait3A_10 = tpu.memref_slice %arg8[%mul3A_2, %dma_wait3A] : memref<10112x128xf32, #tpu.memory_space<vmem_shared>> -> memref<632x128xf32, #tpu.memory_space<vmem_shared>>
      tpu.wait_dma2 semaphore(%run_scoped3A : memref<!tpu.dma_semaphore, #tpu.memory_space<semaphore_mem>>) src(%arg3 : memref<632x128xf32, #tpu.memory_space<hbm>>) dst(%dma_wait3A_10 : memref<632x128xf32, #tpu.memory_space<vmem_shared>>)
      tpu.yield
    }) : () -> ()
    "tpu.region"() ({
      %run_scoped3A = tpu.sem_alloc : memref<!tpu.dma_semaphore, #tpu.memory_space<semaphore_mem>>
      %dma_start3A = arith.constant 0 : i32
      %dma_start3A_9 = arith.constant 0 : i32
      %dma_start3A_10 = tpu.memref_slice %arg2[%add3A, %dma_start3A, %dma_start3A_9] : memref<32x79x128xi32, #tpu.memory_space<hbm>> -> memref<1x79x128xi32, #tpu.memory_space<hbm>>
      %dma_start3A_11 = tpu.memref_squeeze %dma_start3A_10 : memref<1x79x128xi32, #tpu.memory_space<hbm>> -> memref<79x128xi32, #tpu.memory_space<hbm>>
      %dma_start3A_12 = arith.constant 0 : i32
      %dma_start3A_13 = arith.constant 0 : i32
      %dma_start3A_14 = tpu.memref_slice %arg2[%add3A, %dma_start3A_12, %dma_start3A_13] : memref<32x79x128xi32, #tpu.memory_space<hbm>> -> memref<1x79x128xi32, #tpu.memory_space<hbm>>
      %dma_start3A_15 = tpu.memref_squeeze %dma_start3A_14 : memref<1x79x128xi32, #tpu.memory_space<hbm>> -> memref<79x128xi32, #tpu.memory_space<hbm>>
      tpu.enqueue_dma source(%dma_start3A_15 : memref<79x128xi32, #tpu.memory_space<hbm>>) target(%arg6 : memref<79x128xi32, #tpu.memory_space<vmem>>) target_semaphore(%run_scoped3A : memref<!tpu.dma_semaphore, #tpu.memory_space<semaphore_mem>>)
      %dma_wait3A = arith.constant 0 : i32
      %dma_wait3A_16 = arith.constant 0 : i32
      %dma_wait3A_17 = tpu.memref_slice %arg2[%add3A, %dma_wait3A, %dma_wait3A_16] : memref<32x79x128xi32, #tpu.memory_space<hbm>> -> memref<1x79x128xi32, #tpu.memory_space<hbm>>
      %dma_wait3A_18 = tpu.memref_squeeze %dma_wait3A_17 : memref<1x79x128xi32, #tpu.memory_space<hbm>> -> memref<79x128xi32, #tpu.memory_space<hbm>>
      %dma_wait3A_19 = arith.constant 0 : i32
      %dma_wait3A_20 = arith.constant 0 : i32
      %dma_wait3A_21 = tpu.memref_slice %arg2[%add3A, %dma_wait3A_19, %dma_wait3A_20] : memref<32x79x128xi32, #tpu.memory_space<hbm>> -> memref<1x79x128xi32, #tpu.memory_space<hbm>>
      %dma_wait3A_22 = tpu.memref_squeeze %dma_wait3A_21 : memref<1x79x128xi32, #tpu.memory_space<hbm>> -> memref<79x128xi32, #tpu.memory_space<hbm>>
      tpu.wait_dma2 semaphore(%run_scoped3A : memref<!tpu.dma_semaphore, #tpu.memory_space<semaphore_mem>>) src(%dma_wait3A_22 : memref<79x128xi32, #tpu.memory_space<hbm>>) dst(%arg6 : memref<79x128xi32, #tpu.memory_space<vmem>>)
      tpu.yield
    }) : () -> ()
    "tpu.region"() ({
      %run_scoped3A = tpu.sem_alloc : memref<!tpu.dma_semaphore, #tpu.memory_space<semaphore_mem>>
      tpu.enqueue_dma source(%arg4 : memref<128x128xf32, #tpu.memory_space<hbm>>) target(%arg7 : memref<128x128xf32, #tpu.memory_space<vmem>>) target_semaphore(%run_scoped3A : memref<!tpu.dma_semaphore, #tpu.memory_space<semaphore_mem>>)
      tpu.wait_dma2 semaphore(%run_scoped3A : memref<!tpu.dma_semaphore, #tpu.memory_space<semaphore_mem>>) src(%arg4 : memref<128x128xf32, #tpu.memory_space<hbm>>) dst(%arg7 : memref<128x128xf32, #tpu.memory_space<vmem>>)
      tpu.yield
    }) : () -> ()
    %barrier3A = arith.constant 0 : index
    tpu.barrier barrier_id(%barrier3A)
    %scan3A = arith.constant 0 : i32
    %scan3A_3 = arith.constant 0 : i32
    %scan3A_4 = arith.constant 79 : i32
    %scan3A_5 = arith.addi %scan3A_3, %scan3A_4 : i32
    %scan3A_6 = arith.constant 1 : i32
    scf.for %scan3A_9 = %scan3A_3 to %scan3A_5 step %scan3A_6  : i32 {
      "tpu.region"() ({
        %run_scoped3A = tpu.sem_alloc : memref<!tpu.dma_semaphore, #tpu.memory_space<semaphore_mem>>
        %dma_start3A = arith.constant 0 : i32
        %dma_start3A_10 = tpu.memref_slice %arg6[%scan3A_9, %dma_start3A] : memref<79x128xi32, #tpu.memory_space<vmem>> -> memref<1x128xi32, #tpu.memory_space<vmem>>
        %dma_start3A_11 = tpu.memref_squeeze %dma_start3A_10 : memref<1x128xi32, #tpu.memory_space<vmem>> -> memref<128xi32, #tpu.memory_space<vmem>>
        %dma_start3A_12 = arith.constant 0 : i32
        %dma_start3A_13 = arith.constant 0 : i32
        %dma_start3A_14 = tpu.memref_slice %arg8[%dma_start3A_12, %dma_start3A_13] : memref<10112x128xf32, #tpu.memory_space<vmem_shared>> -> memref<10112x128xf32, #tpu.memory_space<vmem_shared>>
        tpu.enqueue_indirect_dma source(%arg7 : memref<128x128xf32, #tpu.memory_space<vmem>>) target(%dma_start3A_14 : memref<10112x128xf32, #tpu.memory_space<vmem_shared>>) offsets(%dma_start3A_11 : memref<128xi32, #tpu.memory_space<vmem>>) semaphore(%run_scoped3A : memref<!tpu.dma_semaphore, #tpu.memory_space<semaphore_mem>>) {add = true}
        %dma_wait3A = arith.constant 0 : i32
        %dma_wait3A_15 = tpu.memref_slice %arg6[%scan3A_9, %dma_wait3A] : memref<79x128xi32, #tpu.memory_space<vmem>> -> memref<1x128xi32, #tpu.memory_space<vmem>>
        %dma_wait3A_16 = tpu.memref_squeeze %dma_wait3A_15 : memref<1x128xi32, #tpu.memory_space<vmem>> -> memref<128xi32, #tpu.memory_space<vmem>>
        %dma_wait3A_17 = arith.constant 0 : i32
        %dma_wait3A_18 = arith.constant 0 : i32
        %dma_wait3A_19 = tpu.memref_slice %arg8[%dma_wait3A_17, %dma_wait3A_18] : memref<10112x128xf32, #tpu.memory_space<vmem_shared>> -> memref<10112x128xf32, #tpu.memory_space<vmem_shared>>
        tpu.wait_indirect_dma semaphore(%run_scoped3A : memref<!tpu.dma_semaphore, #tpu.memory_space<semaphore_mem>>) src(%arg7 : memref<128x128xf32, #tpu.memory_space<vmem>>) dst(%dma_wait3A_19 : memref<10112x128xf32, #tpu.memory_space<vmem_shared>>)
        tpu.yield
      }) : () -> ()
    }
    %scan3A_7 = arith.constant 79 : i32
    %barrier3A_8 = arith.constant 0 : index
    tpu.barrier barrier_id(%barrier3A_8)
    "tpu.region"() ({
      %run_scoped3A = tpu.sem_alloc : memref<!tpu.dma_semaphore, #tpu.memory_space<semaphore_mem>>
      %dma_start3A = arith.constant 0 : i32
      %dma_start3A_9 = tpu.memref_slice %arg5[%arg0, %mul3A_2, %dma_start3A] : memref<2x10112x128xf32, #tpu.memory_space<hbm>> -> memref<1x632x128xf32, #tpu.memory_space<hbm>>
      %dma_start3A_10 = tpu.memref_squeeze %dma_start3A_9 : memref<1x632x128xf32, #tpu.memory_space<hbm>> -> memref<632x128xf32, #tpu.memory_space<hbm>>
      %dma_start3A_11 = arith.constant 0 : i32
      %dma_start3A_12 = tpu.memref_slice %arg8[%mul3A_2, %dma_start3A_11] : memref<10112x128xf32, #tpu.memory_space<vmem_shared>> -> memref<632x128xf32, #tpu.memory_space<vmem_shared>>
      tpu.enqueue_dma source(%dma_start3A_12 : memref<632x128xf32, #tpu.memory_space<vmem_shared>>) target(%dma_start3A_10 : memref<632x128xf32, #tpu.memory_space<hbm>>) target_semaphore(%run_scoped3A : memref<!tpu.dma_semaphore, #tpu.memory_space<semaphore_mem>>)
      %dma_wait3A = arith.constant 0 : i32
      %dma_wait3A_13 = tpu.memref_slice %arg5[%arg0, %mul3A_2, %dma_wait3A] : memref<2x10112x128xf32, #tpu.memory_space<hbm>> -> memref<1x632x128xf32, #tpu.memory_space<hbm>>
      %dma_wait3A_14 = tpu.memref_squeeze %dma_wait3A_13 : memref<1x632x128xf32, #tpu.memory_space<hbm>> -> memref<632x128xf32, #tpu.memory_space<hbm>>
      %dma_wait3A_15 = arith.constant 0 : i32
      %dma_wait3A_16 = tpu.memref_slice %arg8[%mul3A_2, %dma_wait3A_15] : memref<10112x128xf32, #tpu.memory_space<vmem_shared>> -> memref<632x128xf32, #tpu.memory_space<vmem_shared>>
      tpu.wait_dma2 semaphore(%run_scoped3A : memref<!tpu.dma_semaphore, #tpu.memory_space<semaphore_mem>>) src(%dma_wait3A_16 : memref<632x128xf32, #tpu.memory_space<vmem_shared>>) dst(%dma_wait3A_14 : memref<632x128xf32, #tpu.memory_space<hbm>>)
      tpu.yield
    }) : () -> ()
    return
  }
}

#map = affine_map<(d0, d1) -> (0, 0)>
#map1 = affine_map<(d0, d1) -> (0, 0, 0)>
module attributes {stable_mosaic.version = 14 : i64} {
  func.func @k(%arg0: i32, %arg1: i32, %arg2: memref<10000x128xf32, #tpu.memory_space<hbm>>, %arg3: memref<32x79x128xi32, #tpu.memory_space<hbm>>, %arg4: memref<32x79x128xi32, #tpu.memory_space<hbm>>, %arg5: memref<632x128xf32, #tpu.memory_space<hbm>>, %arg6: memref<2x10112x128xf32, #tpu.memory_space<hbm>>, %arg7: memref<79x128xi32, #tpu.memory_space<vmem>>, %arg8: memref<79x128xi32, #tpu.memory_space<vmem>>, %arg9: memref<128x128xf32, #tpu.memory_space<vmem>>, %arg10: memref<10112x128xf32, #tpu.memory_space<vmem_shared>>, %arg11: memref<!tpu.dma_semaphore, #tpu.memory_space<semaphore_mem>>) attributes {dimension_semantics = [#tpu.dimension_semantics<core_parallel>, #tpu.dimension_semantics<subcore_parallel>], iteration_bounds = array<i64: 2, 16>, scalar_prefetch = 0 : i64, scratch_operands = 5 : i64, tpu.core_type = #tpu.core_type<sc_vector_subcore>, window_params = [{transform_indices = #map}, {transform_indices = #map1}, {transform_indices = #map1}, {transform_indices = #map}, {transform_indices = #map1}]} {
    %mul3A = arith.constant 2 : i32
    %mul3A_0 = arith.muli %arg1, %mul3A : i32
    %add3A = arith.addi %mul3A_0, %arg0 : i32
    %mul3A_1 = arith.constant 632 : i32
    %mul3A_2 = arith.muli %arg1, %mul3A_1 : i32
    "tpu.region"() ({
      %run_scoped3A = tpu.sem_alloc : memref<!tpu.dma_semaphore, #tpu.memory_space<semaphore_mem>>
      %dma_start3A = arith.constant 0 : i32
      %dma_start3A_9 = tpu.memref_slice %arg10[%mul3A_2, %dma_start3A] : memref<10112x128xf32, #tpu.memory_space<vmem_shared>> -> memref<632x128xf32, #tpu.memory_space<vmem_shared>>
      tpu.enqueue_dma source(%arg5 : memref<632x128xf32, #tpu.memory_space<hbm>>) target(%dma_start3A_9 : memref<632x128xf32, #tpu.memory_space<vmem_shared>>) target_semaphore(%run_scoped3A : memref<!tpu.dma_semaphore, #tpu.memory_space<semaphore_mem>>)
      %dma_wait3A = arith.constant 0 : i32
      %dma_wait3A_10 = tpu.memref_slice %arg10[%mul3A_2, %dma_wait3A] : memref<10112x128xf32, #tpu.memory_space<vmem_shared>> -> memref<632x128xf32, #tpu.memory_space<vmem_shared>>
      tpu.wait_dma2 semaphore(%run_scoped3A : memref<!tpu.dma_semaphore, #tpu.memory_space<semaphore_mem>>) src(%arg5 : memref<632x128xf32, #tpu.memory_space<hbm>>) dst(%dma_wait3A_10 : memref<632x128xf32, #tpu.memory_space<vmem_shared>>)
      tpu.yield
    }) : () -> ()
    "tpu.region"() ({
      %run_scoped3A = tpu.sem_alloc : memref<!tpu.dma_semaphore, #tpu.memory_space<semaphore_mem>>
      %dma_start3A = arith.constant 0 : i32
      %dma_start3A_9 = arith.constant 0 : i32
      %dma_start3A_10 = tpu.memref_slice %arg3[%add3A, %dma_start3A, %dma_start3A_9] : memref<32x79x128xi32, #tpu.memory_space<hbm>> -> memref<1x79x128xi32, #tpu.memory_space<hbm>>
      %dma_start3A_11 = tpu.memref_squeeze %dma_start3A_10 : memref<1x79x128xi32, #tpu.memory_space<hbm>> -> memref<79x128xi32, #tpu.memory_space<hbm>>
      %dma_start3A_12 = arith.constant 0 : i32
      %dma_start3A_13 = arith.constant 0 : i32
      %dma_start3A_14 = tpu.memref_slice %arg3[%add3A, %dma_start3A_12, %dma_start3A_13] : memref<32x79x128xi32, #tpu.memory_space<hbm>> -> memref<1x79x128xi32, #tpu.memory_space<hbm>>
      %dma_start3A_15 = tpu.memref_squeeze %dma_start3A_14 : memref<1x79x128xi32, #tpu.memory_space<hbm>> -> memref<79x128xi32, #tpu.memory_space<hbm>>
      tpu.enqueue_dma source(%dma_start3A_15 : memref<79x128xi32, #tpu.memory_space<hbm>>) target(%arg7 : memref<79x128xi32, #tpu.memory_space<vmem>>) target_semaphore(%run_scoped3A : memref<!tpu.dma_semaphore, #tpu.memory_space<semaphore_mem>>)
      %dma_wait3A = arith.constant 0 : i32
      %dma_wait3A_16 = arith.constant 0 : i32
      %dma_wait3A_17 = tpu.memref_slice %arg3[%add3A, %dma_wait3A, %dma_wait3A_16] : memref<32x79x128xi32, #tpu.memory_space<hbm>> -> memref<1x79x128xi32, #tpu.memory_space<hbm>>
      %dma_wait3A_18 = tpu.memref_squeeze %dma_wait3A_17 : memref<1x79x128xi32, #tpu.memory_space<hbm>> -> memref<79x128xi32, #tpu.memory_space<hbm>>
      %dma_wait3A_19 = arith.constant 0 : i32
      %dma_wait3A_20 = arith.constant 0 : i32
      %dma_wait3A_21 = tpu.memref_slice %arg3[%add3A, %dma_wait3A_19, %dma_wait3A_20] : memref<32x79x128xi32, #tpu.memory_space<hbm>> -> memref<1x79x128xi32, #tpu.memory_space<hbm>>
      %dma_wait3A_22 = tpu.memref_squeeze %dma_wait3A_21 : memref<1x79x128xi32, #tpu.memory_space<hbm>> -> memref<79x128xi32, #tpu.memory_space<hbm>>
      tpu.wait_dma2 semaphore(%run_scoped3A : memref<!tpu.dma_semaphore, #tpu.memory_space<semaphore_mem>>) src(%dma_wait3A_22 : memref<79x128xi32, #tpu.memory_space<hbm>>) dst(%arg7 : memref<79x128xi32, #tpu.memory_space<vmem>>)
      tpu.yield
    }) : () -> ()
    "tpu.region"() ({
      %run_scoped3A = tpu.sem_alloc : memref<!tpu.dma_semaphore, #tpu.memory_space<semaphore_mem>>
      %dma_start3A = arith.constant 0 : i32
      %dma_start3A_9 = arith.constant 0 : i32
      %dma_start3A_10 = tpu.memref_slice %arg4[%add3A, %dma_start3A, %dma_start3A_9] : memref<32x79x128xi32, #tpu.memory_space<hbm>> -> memref<1x79x128xi32, #tpu.memory_space<hbm>>
      %dma_start3A_11 = tpu.memref_squeeze %dma_start3A_10 : memref<1x79x128xi32, #tpu.memory_space<hbm>> -> memref<79x128xi32, #tpu.memory_space<hbm>>
      %dma_start3A_12 = arith.constant 0 : i32
      %dma_start3A_13 = arith.constant 0 : i32
      %dma_start3A_14 = tpu.memref_slice %arg4[%add3A, %dma_start3A_12, %dma_start3A_13] : memref<32x79x128xi32, #tpu.memory_space<hbm>> -> memref<1x79x128xi32, #tpu.memory_space<hbm>>
      %dma_start3A_15 = tpu.memref_squeeze %dma_start3A_14 : memref<1x79x128xi32, #tpu.memory_space<hbm>> -> memref<79x128xi32, #tpu.memory_space<hbm>>
      tpu.enqueue_dma source(%dma_start3A_15 : memref<79x128xi32, #tpu.memory_space<hbm>>) target(%arg8 : memref<79x128xi32, #tpu.memory_space<vmem>>) target_semaphore(%run_scoped3A : memref<!tpu.dma_semaphore, #tpu.memory_space<semaphore_mem>>)
      %dma_wait3A = arith.constant 0 : i32
      %dma_wait3A_16 = arith.constant 0 : i32
      %dma_wait3A_17 = tpu.memref_slice %arg4[%add3A, %dma_wait3A, %dma_wait3A_16] : memref<32x79x128xi32, #tpu.memory_space<hbm>> -> memref<1x79x128xi32, #tpu.memory_space<hbm>>
      %dma_wait3A_18 = tpu.memref_squeeze %dma_wait3A_17 : memref<1x79x128xi32, #tpu.memory_space<hbm>> -> memref<79x128xi32, #tpu.memory_space<hbm>>
      %dma_wait3A_19 = arith.constant 0 : i32
      %dma_wait3A_20 = arith.constant 0 : i32
      %dma_wait3A_21 = tpu.memref_slice %arg4[%add3A, %dma_wait3A_19, %dma_wait3A_20] : memref<32x79x128xi32, #tpu.memory_space<hbm>> -> memref<1x79x128xi32, #tpu.memory_space<hbm>>
      %dma_wait3A_22 = tpu.memref_squeeze %dma_wait3A_21 : memref<1x79x128xi32, #tpu.memory_space<hbm>> -> memref<79x128xi32, #tpu.memory_space<hbm>>
      tpu.wait_dma2 semaphore(%run_scoped3A : memref<!tpu.dma_semaphore, #tpu.memory_space<semaphore_mem>>) src(%dma_wait3A_22 : memref<79x128xi32, #tpu.memory_space<hbm>>) dst(%arg8 : memref<79x128xi32, #tpu.memory_space<vmem>>)
      tpu.yield
    }) : () -> ()
    %barrier3A = arith.constant 0 : index
    tpu.barrier barrier_id(%barrier3A)
    %scan3A = arith.constant 0 : i32
    %scan3A_3 = arith.constant 0 : i32
    %scan3A_4 = arith.constant 79 : i32
    %scan3A_5 = arith.addi %scan3A_3, %scan3A_4 : i32
    %scan3A_6 = arith.constant 1 : i32
    scf.for %scan3A_9 = %scan3A_3 to %scan3A_5 step %scan3A_6  : i32 {
      %dma_start3A = arith.constant 0 : i32
      %dma_start3A_10 = tpu.memref_slice %arg7[%scan3A_9, %dma_start3A] : memref<79x128xi32, #tpu.memory_space<vmem>> -> memref<1x128xi32, #tpu.memory_space<vmem>>
      %dma_start3A_11 = tpu.memref_squeeze %dma_start3A_10 : memref<1x128xi32, #tpu.memory_space<vmem>> -> memref<128xi32, #tpu.memory_space<vmem>>
      %dma_start3A_12 = arith.constant 0 : i32
      %dma_start3A_13 = arith.constant 0 : i32
      %dma_start3A_14 = tpu.memref_slice %arg2[%dma_start3A_12, %dma_start3A_13] : memref<10000x128xf32, #tpu.memory_space<hbm>> -> memref<10000x128xf32, #tpu.memory_space<hbm>>
      tpu.enqueue_indirect_dma source(%dma_start3A_14 : memref<10000x128xf32, #tpu.memory_space<hbm>>) target(%arg9 : memref<128x128xf32, #tpu.memory_space<vmem>>) offsets(%dma_start3A_11 : memref<128xi32, #tpu.memory_space<vmem>>) semaphore(%arg11 : memref<!tpu.dma_semaphore, #tpu.memory_space<semaphore_mem>>)
      %dma_wait3A = arith.constant 0 : i32
      %dma_wait3A_15 = tpu.memref_slice %arg7[%scan3A_9, %dma_wait3A] : memref<79x128xi32, #tpu.memory_space<vmem>> -> memref<1x128xi32, #tpu.memory_space<vmem>>
      %dma_wait3A_16 = tpu.memref_squeeze %dma_wait3A_15 : memref<1x128xi32, #tpu.memory_space<vmem>> -> memref<128xi32, #tpu.memory_space<vmem>>
      %dma_wait3A_17 = arith.constant 0 : i32
      %dma_wait3A_18 = arith.constant 0 : i32
      %dma_wait3A_19 = tpu.memref_slice %arg2[%dma_wait3A_17, %dma_wait3A_18] : memref<10000x128xf32, #tpu.memory_space<hbm>> -> memref<10000x128xf32, #tpu.memory_space<hbm>>
      tpu.wait_indirect_dma semaphore(%arg11 : memref<!tpu.dma_semaphore, #tpu.memory_space<semaphore_mem>>) src(%dma_wait3A_19 : memref<10000x128xf32, #tpu.memory_space<hbm>>) dst(%arg9 : memref<128x128xf32, #tpu.memory_space<vmem>>)
      "tpu.region"() ({
        %run_scoped3A = tpu.sem_alloc : memref<!tpu.dma_semaphore, #tpu.memory_space<semaphore_mem>>
        %dma_start3A_20 = arith.constant 0 : i32
        %dma_start3A_21 = tpu.memref_slice %arg8[%scan3A_9, %dma_start3A_20] : memref<79x128xi32, #tpu.memory_space<vmem>> -> memref<1x128xi32, #tpu.memory_space<vmem>>
        %dma_start3A_22 = tpu.memref_squeeze %dma_start3A_21 : memref<1x128xi32, #tpu.memory_space<vmem>> -> memref<128xi32, #tpu.memory_space<vmem>>
        %dma_start3A_23 = arith.constant 0 : i32
        %dma_start3A_24 = arith.constant 0 : i32
        %dma_start3A_25 = tpu.memref_slice %arg10[%dma_start3A_23, %dma_start3A_24] : memref<10112x128xf32, #tpu.memory_space<vmem_shared>> -> memref<10112x128xf32, #tpu.memory_space<vmem_shared>>
        tpu.enqueue_indirect_dma source(%arg9 : memref<128x128xf32, #tpu.memory_space<vmem>>) target(%dma_start3A_25 : memref<10112x128xf32, #tpu.memory_space<vmem_shared>>) offsets(%dma_start3A_22 : memref<128xi32, #tpu.memory_space<vmem>>) semaphore(%run_scoped3A : memref<!tpu.dma_semaphore, #tpu.memory_space<semaphore_mem>>) {add = true}
        %dma_wait3A_26 = arith.constant 0 : i32
        %dma_wait3A_27 = tpu.memref_slice %arg8[%scan3A_9, %dma_wait3A_26] : memref<79x128xi32, #tpu.memory_space<vmem>> -> memref<1x128xi32, #tpu.memory_space<vmem>>
        %dma_wait3A_28 = tpu.memref_squeeze %dma_wait3A_27 : memref<1x128xi32, #tpu.memory_space<vmem>> -> memref<128xi32, #tpu.memory_space<vmem>>
        %dma_wait3A_29 = arith.constant 0 : i32
        %dma_wait3A_30 = arith.constant 0 : i32
        %dma_wait3A_31 = tpu.memref_slice %arg10[%dma_wait3A_29, %dma_wait3A_30] : memref<10112x128xf32, #tpu.memory_space<vmem_shared>> -> memref<10112x128xf32, #tpu.memory_space<vmem_shared>>
        tpu.wait_indirect_dma semaphore(%run_scoped3A : memref<!tpu.dma_semaphore, #tpu.memory_space<semaphore_mem>>) src(%arg9 : memref<128x128xf32, #tpu.memory_space<vmem>>) dst(%dma_wait3A_31 : memref<10112x128xf32, #tpu.memory_space<vmem_shared>>)
        tpu.yield
      }) : () -> ()
    }
    %scan3A_7 = arith.constant 79 : i32
    %barrier3A_8 = arith.constant 0 : index
    tpu.barrier barrier_id(%barrier3A_8)
    "tpu.region"() ({
      %run_scoped3A = tpu.sem_alloc : memref<!tpu.dma_semaphore, #tpu.memory_space<semaphore_mem>>
      %dma_start3A = arith.constant 0 : i32
      %dma_start3A_9 = tpu.memref_slice %arg6[%arg0, %mul3A_2, %dma_start3A] : memref<2x10112x128xf32, #tpu.memory_space<hbm>> -> memref<1x632x128xf32, #tpu.memory_space<hbm>>
      %dma_start3A_10 = tpu.memref_squeeze %dma_start3A_9 : memref<1x632x128xf32, #tpu.memory_space<hbm>> -> memref<632x128xf32, #tpu.memory_space<hbm>>
      %dma_start3A_11 = arith.constant 0 : i32
      %dma_start3A_12 = tpu.memref_slice %arg10[%mul3A_2, %dma_start3A_11] : memref<10112x128xf32, #tpu.memory_space<vmem_shared>> -> memref<632x128xf32, #tpu.memory_space<vmem_shared>>
      tpu.enqueue_dma source(%dma_start3A_12 : memref<632x128xf32, #tpu.memory_space<vmem_shared>>) target(%dma_start3A_10 : memref<632x128xf32, #tpu.memory_space<hbm>>) target_semaphore(%run_scoped3A : memref<!tpu.dma_semaphore, #tpu.memory_space<semaphore_mem>>)
      %dma_wait3A = arith.constant 0 : i32
      %dma_wait3A_13 = tpu.memref_slice %arg6[%arg0, %mul3A_2, %dma_wait3A] : memref<2x10112x128xf32, #tpu.memory_space<hbm>> -> memref<1x632x128xf32, #tpu.memory_space<hbm>>
      %dma_wait3A_14 = tpu.memref_squeeze %dma_wait3A_13 : memref<1x632x128xf32, #tpu.memory_space<hbm>> -> memref<632x128xf32, #tpu.memory_space<hbm>>
      %dma_wait3A_15 = arith.constant 0 : i32
      %dma_wait3A_16 = tpu.memref_slice %arg10[%mul3A_2, %dma_wait3A_15] : memref<10112x128xf32, #tpu.memory_space<vmem_shared>> -> memref<632x128xf32, #tpu.memory_space<vmem_shared>>
      tpu.wait_dma2 semaphore(%run_scoped3A : memref<!tpu.dma_semaphore, #tpu.memory_space<semaphore_mem>>) src(%dma_wait3A_16 : memref<632x128xf32, #tpu.memory_space<vmem_shared>>) dst(%dma_wait3A_14 : memref<632x128xf32, #tpu.memory_space<hbm>>)
      tpu.yield
    }) : () -> ()
    return
  }
}

module attributes {stable_mosaic.version = 14 : i64} {
  func.func @body(%arg0: i32, %arg1: memref<1000x128xf32, #tpu.memory_space<vmem>>, %arg2: memref<128x128xf32, #tpu.memory_space<vmem>>, %arg3: memref<1000x128xf32, #tpu.memory_space<vmem>>) attributes {dimension_semantics = [#tpu.dimension_semantics<arbitrary>], iteration_bounds = array<i64: 10>, scalar_prefetch = 0 : i64, scratch_operands = 0 : i64, tpu.core_type = #tpu.core_type<tc>, window_params = [{transform_indices = @transform_0, window_bounds = array<i64: 1000, 128>}, {pipeline_mode = #tpu.pipeline_mode<synchronous>, transform_indices = @transform_1, window_bounds = array<i64: 128, 128>}, {transform_indices = @transform_2, window_bounds = array<i64: 1000, 128>}]} {
    %get3A = arith.constant 0 : index
    %get3A_0 = arith.constant 0 : index
    %get3A_1 = vector.load %arg1[%get3A, %get3A_0] : memref<1000x128xf32, #tpu.memory_space<vmem>>, vector<1000x128xf32>
    %get3A_2 = arith.constant 0 : index
    %get3A_3 = arith.constant 0 : index
    %get3A_4 = vector.load %arg2[%get3A_2, %get3A_3] : memref<128x128xf32, #tpu.memory_space<vmem>>, vector<128x128xf32>
    %dot_general3A = arith.constant dense<0.000000e+00> : vector<1000x128xf32>
    %dot_general3A_5 = tpu.matmul %get3A_1, %get3A_4, %dot_general3A {dimension_numbers = #tpu.dot_dimension_numbers<[1], [0], [0], [1], [0, 0, 1, 1], [], []>, transpose_lhs_hint = false} : vector<1000x128xf32>, vector<128x128xf32>, vector<1000x128xf32> -> vector<1000x128xf32>
    %swap3A = arith.constant 0 : index
    %swap3A_6 = arith.constant 0 : index
    %swap3A_7 = vector.load %arg3[%swap3A, %swap3A_6] : memref<1000x128xf32, #tpu.memory_space<vmem>>, vector<1000x128xf32>
    tpu.vector_store %arg3[%swap3A, %swap3A_6], %dot_general3A_5 {strides = array<i32>} : memref<1000x128xf32, #tpu.memory_space<vmem>>, vector<1000x128xf32>,
    return
  }
  func.func @transform_0(%arg0: i32) -> (i32, i32) {
    %c0_i32 = arith.constant 0 : i32
    %c0_i32_0 = arith.constant 0 : i32
    return %arg0, %c0_i32 : i32, i32
  }
  func.func @transform_1(%arg0: i32) -> (i32, i32) {
    %c0_i32 = arith.constant 0 : i32
    %c0_i32_0 = arith.constant 0 : i32
    %c0_i32_1 = arith.constant 0 : i32
    return %c0_i32, %c0_i32_0 : i32, i32
  }
  func.func @transform_2(%arg0: i32) -> (i32, i32) {
    %c0_i32 = arith.constant 0 : i32
    %c0_i32_0 = arith.constant 0 : i32
    return %arg0, %c0_i32 : i32, i32
  }
}

module attributes {stable_mosaic.version = 14 : i64} {
  func.func @body(%arg0: i32, %arg1: memref<1000x128xf32, #tpu.memory_space<vmem>>, %arg2: memref<1000x128xf32, #tpu.memory_space<vmem>>, %arg3: memref<1000x128xf32, #tpu.memory_space<vmem>>, %arg4: memref<1000x128xf32, #tpu.memory_space<vmem>>, %arg5: memref<1000x128xf32, #tpu.memory_space<vmem>>) attributes {dimension_semantics = [#tpu.dimension_semantics<arbitrary>], iteration_bounds = array<i64: 10>, scalar_prefetch = 0 : i64, scratch_operands = 0 : i64, tpu.core_type = #tpu.core_type<tc>, window_params = [{transform_indices = @transform_0, window_bounds = array<i64: 1000, 128>}, {transform_indices = @transform_1, window_bounds = array<i64: 1000, 128>}, {transform_indices = @transform_2, window_bounds = array<i64: 1000, 128>}, {transform_indices = @transform_3, window_bounds = array<i64: 1000, 128>}, {transform_indices = @transform_4, window_bounds = array<i64: 1000, 128>}]} {
    %get3A = arith.constant 0 : index
    %get3A_0 = arith.constant 0 : index
    %get3A_1 = vector.load %arg2[%get3A, %get3A_0] : memref<1000x128xf32, #tpu.memory_space<vmem>>, vector<1000x1xf32>
    %get3A_2 = arith.constant 0 : index
    %get3A_3 = arith.constant 0 : index
    %get3A_4 = vector.load %arg3[%get3A_2, %get3A_3] : memref<1000x128xf32, #tpu.memory_space<vmem>>, vector<1000x1xf32>
    %add3A = arith.addf %get3A_1, %get3A_4 : vector<1000x1xf32>
    %add3A_5 = arith.constant 1.000000e+00 : f32
    %add3A_6 = vector.broadcast %add3A_5 : f32 to vector<1000x1xf32>
    %add3A_7 = arith.addf %add3A, %add3A_6 : vector<1000x1xf32>
    %rsqrt3A = math.rsqrt %add3A_7 : vector<1000x1xf32>
    %get3A_8 = arith.constant 0 : index
    %get3A_9 = arith.constant 0 : index
    %get3A_10 = vector.load %arg1[%get3A_8, %get3A_9] : memref<1000x128xf32, #tpu.memory_space<vmem>>, vector<1000x128xf32>
    %mul3A = vector.broadcast %rsqrt3A : vector<1000x1xf32> to vector<1000x128xf32>
    %mul3A_11 = arith.mulf %get3A_10, %mul3A : vector<1000x128xf32>
    %swap3A = arith.constant 0 : index
    %swap3A_12 = arith.constant 0 : index
    %swap3A_13 = vector.load %arg4[%swap3A, %swap3A_12] : memref<1000x128xf32, #tpu.memory_space<vmem>>, vector<1000x128xf32>
    tpu.vector_store %arg4[%swap3A, %swap3A_12], %mul3A_11 {strides = array<i32>} : memref<1000x128xf32, #tpu.memory_space<vmem>>, vector<1000x128xf32>,
    %broadcast_in_dim3A = vector.shape_cast %rsqrt3A : vector<1000x1xf32> to vector<1000x1xf32>
    %broadcast_in_dim3A_14 = vector.broadcast %broadcast_in_dim3A : vector<1000x1xf32> to vector<1000x128xf32>
    %swap3A_15 = arith.constant 0 : index
    %swap3A_16 = arith.constant 0 : index
    %swap3A_17 = vector.load %arg5[%swap3A_15, %swap3A_16] : memref<1000x128xf32, #tpu.memory_space<vmem>>, vector<1000x128xf32>
    tpu.vector_store %arg5[%swap3A_15, %swap3A_16], %broadcast_in_dim3A_14 {strides = array<i32>} : memref<1000x128xf32, #tpu.memory_space<vmem>>, vector<1000x128xf32>,
    return
  }
  func.func @transform_0(%arg0: i32) -> (i32, i32) {
    %c0_i32 = arith.constant 0 : i32
    %c0_i32_0 = arith.constant 0 : i32
    return %arg0, %c0_i32 : i32, i32
  }
  func.func @transform_1(%arg0: i32) -> (i32, i32) {
    %c0_i32 = arith.constant 0 : i32
    %c0_i32_0 = arith.constant 0 : i32
    return %arg0, %c0_i32 : i32, i32
  }
  func.func @transform_2(%arg0: i32) -> (i32, i32) {
    %c0_i32 = arith.constant 0 : i32
    %c0_i32_0 = arith.constant 0 : i32
    return %arg0, %c0_i32 : i32, i32
  }
  func.func @transform_3(%arg0: i32) -> (i32, i32) {
    %c0_i32 = arith.constant 0 : i32
    %c0_i32_0 = arith.constant 0 : i32
    return %arg0, %c0_i32 : i32, i32
  }
  func.func @transform_4(%arg0: i32) -> (i32, i32) {
    %c0_i32 = arith.constant 0 : i32
    %c0_i32_0 = arith.constant 0 : i32
    return %arg0, %c0_i32 : i32, i32
  }
}

module attributes {stable_mosaic.version = 14 : i64} {
  func.func @body(%arg0: i32, %arg1: memref<1000x128xf32, #tpu.memory_space<vmem>>, %arg2: memref<1000x128xf32, #tpu.memory_space<vmem>>, %arg3: memref<1000x128xf32, #tpu.memory_space<vmem>>, %arg4: memref<1000x128xf32, #tpu.memory_space<vmem>>, %arg5: memref<1x128xf32, #tpu.memory_space<vmem>>, %arg6: memref<128x128xf32, #tpu.memory_space<vmem>>, %arg7: memref<1000x128xf32, #tpu.memory_space<vmem>>) attributes {dimension_semantics = [#tpu.dimension_semantics<arbitrary>], iteration_bounds = array<i64: 10>, scalar_prefetch = 0 : i64, scratch_operands = 0 : i64, tpu.core_type = #tpu.core_type<tc>, window_params = [{transform_indices = @transform_0, window_bounds = array<i64: 1000, 128>}, {transform_indices = @transform_1, window_bounds = array<i64: 1000, 128>}, {transform_indices = @transform_2, window_bounds = array<i64: 1000, 128>}, {transform_indices = @transform_3, window_bounds = array<i64: 1000, 128>}, {pipeline_mode = #tpu.pipeline_mode<synchronous>, transform_indices = @transform_4, window_bounds = array<i64: 1, 128>}, {pipeline_mode = #tpu.pipeline_mode<synchronous>, transform_indices = @transform_5, window_bounds = array<i64: 128, 128>}, {transform_indices = @transform_6, window_bounds = array<i64: 1000, 128>}]} {
    %get3A = arith.constant 0 : index
    %get3A_0 = arith.constant 0 : index
    %get3A_1 = vector.load %arg1[%get3A, %get3A_0] : memref<1000x128xf32, #tpu.memory_space<vmem>>, vector<1000x128xf32>
    %get3A_2 = arith.constant 0 : index
    %get3A_3 = arith.constant 0 : index
    %get3A_4 = vector.load %arg2[%get3A_2, %get3A_3] : memref<1000x128xf32, #tpu.memory_space<vmem>>, vector<1000x128xf32>
    %add3A = arith.addf %get3A_1, %get3A_4 : vector<1000x128xf32>
    %get3A_5 = arith.constant 0 : index
    %get3A_6 = arith.constant 0 : index
    %get3A_7 = vector.load %arg3[%get3A_5, %get3A_6] : memref<1000x128xf32, #tpu.memory_space<vmem>>, vector<1000x128xf32>
    %add3A_8 = arith.addf %add3A, %get3A_7 : vector<1000x128xf32>
    %get3A_9 = arith.constant 0 : index
    %get3A_10 = arith.constant 0 : index
    %get3A_11 = vector.load %arg4[%get3A_9, %get3A_10] : memref<1000x128xf32, #tpu.memory_space<vmem>>, vector<1000x128xf32>
    %mul3A = arith.mulf %get3A_11, %add3A_8 : vector<1000x128xf32>
    %get3A_12 = arith.constant 0 : index
    %get3A_13 = arith.constant 0 : index
    %get3A_14 = vector.load %arg5[%get3A_12, %get3A_13] : memref<1x128xf32, #tpu.memory_space<vmem>>, vector<1x128xf32>
    %add3A_15 = vector.broadcast %get3A_14 : vector<1x128xf32> to vector<1000x128xf32>
    %add3A_16 = arith.addf %mul3A, %add3A_15 : vector<1000x128xf32>
    %max3A = arith.constant 0.000000e+00 : f32
    %max3A_17 = vector.broadcast %max3A : f32 to vector<1000x128xf32>
    %max3A_18 = arith.maximumf %add3A_16, %max3A_17 : vector<1000x128xf32>
    %get3A_19 = arith.constant 0 : index
    %get3A_20 = arith.constant 0 : index
    %get3A_21 = vector.load %arg6[%get3A_19, %get3A_20] : memref<128x128xf32, #tpu.memory_space<vmem>>, vector<128x128xf32>
    %dot_general3A = arith.constant dense<0.000000e+00> : vector<1000x128xf32>
    %dot_general3A_22 = tpu.matmul %max3A_18, %get3A_21, %dot_general3A {dimension_numbers = #tpu.dot_dimension_numbers<[1], [0], [0], [1], [0, 0, 1, 1], [], []>, transpose_lhs_hint = false} : vector<1000x128xf32>, vector<128x128xf32>, vector<1000x128xf32> -> vector<1000x128xf32>
    %get3A_23 = arith.constant 0 : index
    %get3A_24 = arith.constant 0 : index
    %get3A_25 = vector.load %arg4[%get3A_23, %get3A_24] : memref<1000x128xf32, #tpu.memory_space<vmem>>, vector<1000x128xf32>
    %mul3A_26 = arith.mulf %dot_general3A_22, %get3A_25 : vector<1000x128xf32>
    %swap3A = arith.constant 0 : index
    %swap3A_27 = arith.constant 0 : index
    %swap3A_28 = vector.load %arg7[%swap3A, %swap3A_27] : memref<1000x128xf32, #tpu.memory_space<vmem>>, vector<1000x128xf32>
    tpu.vector_store %arg7[%swap3A, %swap3A_27], %mul3A_26 {strides = array<i32>} : memref<1000x128xf32, #tpu.memory_space<vmem>>, vector<1000x128xf32>,
    return
  }
  func.func @transform_0(%arg0: i32) -> (i32, i32) {
    %c0_i32 = arith.constant 0 : i32
    %c0_i32_0 = arith.constant 0 : i32
    return %arg0, %c0_i32 : i32, i32
  }
  func.func @transform_1(%arg0: i32) -> (i32, i32) {
    %c0_i32 = arith.constant 0 : i32
    %c0_i32_0 = arith.constant 0 : i32
    return %arg0, %c0_i32 : i32, i32
  }
  func.func @transform_2(%arg0: i32) -> (i32, i32) {
    %c0_i32 = arith.constant 0 : i32
    %c0_i32_0 = arith.constant 0 : i32
    return %arg0, %c0_i32 : i32, i32
  }
  func.func @transform_3(%arg0: i32) -> (i32, i32) {
    %c0_i32 = arith.constant 0 : i32
    %c0_i32_0 = arith.constant 0 : i32
    return %arg0, %c0_i32 : i32, i32
  }
  func.func @transform_4(%arg0: i32) -> (i32, i32) {
    %c0_i32 = arith.constant 0 : i32
    %c0_i32_0 = arith.constant 0 : i32
    %c0_i32_1 = arith.constant 0 : i32
    return %c0_i32, %c0_i32_0 : i32, i32
  }
  func.func @transform_5(%arg0: i32) -> (i32, i32) {
    %c0_i32 = arith.constant 0 : i32
    %c0_i32_0 = arith.constant 0 : i32
    %c0_i32_1 = arith.constant 0 : i32
    return %c0_i32, %c0_i32_0 : i32, i32
  }
  func.func @transform_6(%arg0: i32) -> (i32, i32) {
    %c0_i32 = arith.constant 0 : i32
    %c0_i32_0 = arith.constant 0 : i32
    return %arg0, %c0_i32 : i32, i32
  }
}

module attributes {stable_mosaic.version = 14 : i64} {
  func.func @body(%arg0: i32, %arg1: memref<1000x128xf32, #tpu.memory_space<vmem>>, %arg2: memref<1000x128xf32, #tpu.memory_space<vmem>>, %arg3: memref<1000x128xf32, #tpu.memory_space<vmem>>, %arg4: memref<1000x128xf32, #tpu.memory_space<vmem>>, %arg5: memref<1x128xf32, #tpu.memory_space<vmem>>, %arg6: memref<1000x16xi32, #tpu.memory_space<vmem>>, %arg7: memref<128x128xf32, #tpu.memory_space<vmem>>, %arg8: memref<1x128xf32, #tpu.memory_space<vmem>>, %arg9: memref<128x16xf32, #tpu.memory_space<vmem>>, %arg10: memref<1x16xf32, #tpu.memory_space<vmem>>, %arg11: memref<128x16xf32, #tpu.memory_space<vmem>>, %arg12: memref<128x128xf32, #tpu.memory_space<vmem>>, %arg13: memref<128x128xf32, #tpu.memory_space<vmem>>) attributes {dimension_semantics = [#tpu.dimension_semantics<arbitrary>], iteration_bounds = array<i64: 10>, scalar_prefetch = 0 : i64, scratch_operands = 2 : i64, tpu.core_type = #tpu.core_type<tc>, window_params = [{transform_indices = @transform_0, window_bounds = array<i64: 1000, 128>}, {transform_indices = @transform_1, window_bounds = array<i64: 1000, 128>}, {transform_indices = @transform_2, window_bounds = array<i64: 1000, 128>}, {transform_indices = @transform_3, window_bounds = array<i64: 1000, 128>}, {pipeline_mode = #tpu.pipeline_mode<synchronous>, transform_indices = @transform_4, window_bounds = array<i64: 1, 128>}, {transform_indices = @transform_5, window_bounds = array<i64: 1000, 16>}, {pipeline_mode = #tpu.pipeline_mode<synchronous>, transform_indices = @transform_6, window_bounds = array<i64: 128, 128>}, {pipeline_mode = #tpu.pipeline_mode<synchronous>, transform_indices = @transform_7, window_bounds = array<i64: 1, 128>}, {pipeline_mode = #tpu.pipeline_mode<synchronous>, transform_indices = @transform_8, window_bounds = array<i64: 128, 16>}, {pipeline_mode = #tpu.pipeline_mode<synchronous>, transform_indices = @transform_9, window_bounds = array<i64: 1, 16>}, {pipeline_mode = #tpu.pipeline_mode<synchronous>, transform_indices = @transform_10, window_bounds = array<i64: 128, 16>}]} {
    %eq3A = arith.constant 0 : i32
    %eq3A_0 = arith.cmpi eq, %arg0, %eq3A : i32
    %convert_element_type3A = arith.extui %eq3A_0 : i1 to i32
    %cond3A = arith.constant 0 : i32
    %cond3A_1 = arith.cmpi ne, %convert_element_type3A, %cond3A : i32
    scf.if %cond3A_1 {
      %broadcast_in_dim3A_51 = arith.constant 0.000000e+00 : f32
      %broadcast_in_dim3A_52 = vector.broadcast %broadcast_in_dim3A_51 : f32 to vector<128x128xf32>
      %swap3A_53 = arith.constant 0 : index
      %swap3A_54 = arith.constant 0 : index
      %swap3A_55 = vector.load %arg12[%swap3A_53, %swap3A_54] : memref<128x128xf32, #tpu.memory_space<vmem>>, vector<128x128xf32>
      tpu.vector_store %arg12[%swap3A_53, %swap3A_54], %broadcast_in_dim3A_52 {strides = array<i32>} : memref<128x128xf32, #tpu.memory_space<vmem>>, vector<128x128xf32>,
      %broadcast_in_dim3A_56 = arith.constant 0.000000e+00 : f32
      %broadcast_in_dim3A_57 = vector.broadcast %broadcast_in_dim3A_56 : f32 to vector<128x128xf32>
      %swap3A_58 = arith.constant 0 : index
      %swap3A_59 = arith.constant 0 : index
      %swap3A_60 = vector.load %arg13[%swap3A_58, %swap3A_59] : memref<128x128xf32, #tpu.memory_space<vmem>>, vector<128x128xf32>
      tpu.vector_store %arg13[%swap3A_58, %swap3A_59], %broadcast_in_dim3A_57 {strides = array<i32>} : memref<128x128xf32, #tpu.memory_space<vmem>>, vector<128x128xf32>,
    } else {
    }
    %get3A = arith.constant 0 : index
    %get3A_2 = arith.constant 0 : index
    %get3A_3 = vector.load %arg1[%get3A, %get3A_2] : memref<1000x128xf32, #tpu.memory_space<vmem>>, vector<1000x128xf32>
    %get3A_4 = arith.constant 0 : index
    %get3A_5 = arith.constant 0 : index
    %get3A_6 = vector.load %arg2[%get3A_4, %get3A_5] : memref<1000x128xf32, #tpu.memory_space<vmem>>, vector<1000x128xf32>
    %add3A = arith.addf %get3A_3, %get3A_6 : vector<1000x128xf32>
    %get3A_7 = arith.constant 0 : index
    %get3A_8 = arith.constant 0 : index
    %get3A_9 = vector.load %arg3[%get3A_7, %get3A_8] : memref<1000x128xf32, #tpu.memory_space<vmem>>, vector<1000x128xf32>
    %add3A_10 = arith.addf %add3A, %get3A_9 : vector<1000x128xf32>
    %get3A_11 = arith.constant 0 : index
    %get3A_12 = arith.constant 0 : index
    %get3A_13 = vector.load %arg4[%get3A_11, %get3A_12] : memref<1000x128xf32, #tpu.memory_space<vmem>>, vector<1000x128xf32>
    %mul3A = arith.mulf %get3A_13, %add3A_10 : vector<1000x128xf32>
    %get3A_14 = arith.constant 0 : index
    %get3A_15 = arith.constant 0 : index
    %get3A_16 = vector.load %arg5[%get3A_14, %get3A_15] : memref<1x128xf32, #tpu.memory_space<vmem>>, vector<1x128xf32>
    %add3A_17 = vector.broadcast %get3A_16 : vector<1x128xf32> to vector<1000x128xf32>
    %add3A_18 = arith.addf %mul3A, %add3A_17 : vector<1000x128xf32>
    %max3A = arith.constant 0.000000e+00 : f32
    %max3A_19 = vector.broadcast %max3A : f32 to vector<1000x128xf32>
    %max3A_20 = arith.maximumf %add3A_18, %max3A_19 : vector<1000x128xf32>
    %get3A_21 = arith.constant 0 : index
    %get3A_22 = arith.constant 0 : index
    %get3A_23 = vector.load %arg6[%get3A_21, %get3A_22] : memref<1000x16xi32, #tpu.memory_space<vmem>>, vector<1000x1xi32>
    %iota3A = tpu.iota {dimensions = array<i32: 1>} : vector<1x128xi32>
    %eq3A_24 = vector.broadcast %get3A_23 : vector<1000x1xi32> to vector<1000x128xi32>
    %eq3A_25 = vector.broadcast %iota3A : vector<1x128xi32> to vector<1000x128xi32>
    %eq3A_26 = arith.cmpi eq, %eq3A_24, %eq3A_25 : vector<1000x128xi32>
    %convert_element_type3A_27 = arith.extui %eq3A_26 : vector<1000x128xi1> to vector<1000x128xi32>
    %convert_element_type3A_28 = arith.sitofp %convert_element_type3A_27 : vector<1000x128xi32> to vector<1000x128xf32>
    %get3A_29 = arith.constant 0 : index
    %get3A_30 = arith.constant 0 : index
    %get3A_31 = vector.load %arg12[%get3A_29, %get3A_30] : memref<128x128xf32, #tpu.memory_space<vmem>>, vector<128x128xf32>
    %dot_general3A = arith.constant dense<0.000000e+00> : vector<128x128xf32>
    %dot_general3A_32 = tpu.matmul %convert_element_type3A_28, %max3A_20, %dot_general3A {dimension_numbers = #tpu.dot_dimension_numbers<[0], [0], [1], [1], [0, 1, 1, 1], [], []>, transpose_lhs_hint = false} : vector<1000x128xf32>, vector<1000x128xf32>, vector<128x128xf32> -> vector<128x128xf32>
    %add3A_33 = arith.addf %get3A_31, %dot_general3A_32 : vector<128x128xf32>
    %swap3A = arith.constant 0 : index
    %swap3A_34 = arith.constant 0 : index
    %swap3A_35 = vector.load %arg12[%swap3A, %swap3A_34] : memref<128x128xf32, #tpu.memory_space<vmem>>, vector<128x128xf32>
    tpu.vector_store %arg12[%swap3A, %swap3A_34], %add3A_33 {strides = array<i32>} : memref<128x128xf32, #tpu.memory_space<vmem>>, vector<128x128xf32>,
    %get3A_36 = arith.constant 0 : index
    %get3A_37 = arith.constant 0 : index
    %get3A_38 = vector.load %arg13[%get3A_36, %get3A_37] : memref<128x128xf32, #tpu.memory_space<vmem>>, vector<128x128xf32>
    %broadcast_in_dim3A = arith.constant 1.000000e+00 : f32
    %broadcast_in_dim3A_39 = vector.broadcast %broadcast_in_dim3A : f32 to vector<1000x128xf32>
    %dot_general3A_40 = arith.constant dense<0.000000e+00> : vector<128x128xf32>
    %dot_general3A_41 = tpu.matmul %convert_element_type3A_28, %broadcast_in_dim3A_39, %dot_general3A_40 {dimension_numbers = #tpu.dot_dimension_numbers<[0], [0], [1], [1], [0, 1, 1, 1], [], []>, transpose_lhs_hint = false} : vector<1000x128xf32>, vector<1000x128xf32>, vector<128x128xf32> -> vector<128x128xf32>
    %add3A_42 = arith.addf %get3A_38, %dot_general3A_41 : vector<128x128xf32>
    %swap3A_43 = arith.constant 0 : index
    %swap3A_44 = arith.constant 0 : index
    %swap3A_45 = vector.load %arg13[%swap3A_43, %swap3A_44] : memref<128x128xf32, #tpu.memory_space<vmem>>, vector<128x128xf32>
    tpu.vector_store %arg13[%swap3A_43, %swap3A_44], %add3A_42 {strides = array<i32>} : memref<128x128xf32, #tpu.memory_space<vmem>>, vector<128x128xf32>,
    %eq3A_46 = arith.constant 9 : i32
    %eq3A_47 = arith.cmpi eq, %arg0, %eq3A_46 : i32
    %convert_element_type3A_48 = arith.extui %eq3A_47 : i1 to i32
    %cond3A_49 = arith.constant 0 : i32
    %cond3A_50 = arith.cmpi ne, %convert_element_type3A_48, %cond3A_49 : i32
    scf.if %cond3A_50 {
      %get3A_51 = arith.constant 0 : index
      %get3A_52 = arith.constant 0 : index
      %get3A_53 = vector.load %arg12[%get3A_51, %get3A_52] : memref<128x128xf32, #tpu.memory_space<vmem>>, vector<128x128xf32>
      %get3A_54 = arith.constant 0 : index
      %get3A_55 = arith.constant 0 : index
      %get3A_56 = vector.load %arg13[%get3A_54, %get3A_55] : memref<128x128xf32, #tpu.memory_space<vmem>>, vector<128x128xf32>
      %max3A_57 = arith.constant 1.000000e+00 : f32
      %max3A_58 = vector.broadcast %max3A_57 : f32 to vector<128x128xf32>
      %max3A_59 = arith.maximumf %get3A_56, %max3A_58 : vector<128x128xf32>
      %div3A = arith.divf %get3A_53, %max3A_59 : vector<128x128xf32>
      %get3A_60 = arith.constant 0 : index
      %get3A_61 = arith.constant 0 : index
      %get3A_62 = vector.load %arg7[%get3A_60, %get3A_61] : memref<128x128xf32, #tpu.memory_space<vmem>>, vector<128x128xf32>
      %dot_general3A_63 = arith.constant dense<0.000000e+00> : vector<128x128xf32>
      %dot_general3A_64 = tpu.matmul %div3A, %get3A_62, %dot_general3A_63 {dimension_numbers = #tpu.dot_dimension_numbers<[1], [0], [0], [1], [0, 0, 1, 1], [], []>, transpose_lhs_hint = false} : vector<128x128xf32>, vector<128x128xf32>, vector<128x128xf32> -> vector<128x128xf32>
      %get3A_65 = arith.constant 0 : index
      %get3A_66 = arith.constant 0 : index
      %get3A_67 = vector.load %arg8[%get3A_65, %get3A_66] : memref<1x128xf32, #tpu.memory_space<vmem>>, vector<1x128xf32>
      %add3A_68 = vector.broadcast %get3A_67 : vector<1x128xf32> to vector<128x128xf32>
      %add3A_69 = arith.addf %dot_general3A_64, %add3A_68 : vector<128x128xf32>
      %max3A_70 = arith.constant 0.000000e+00 : f32
      %max3A_71 = vector.broadcast %max3A_70 : f32 to vector<128x128xf32>
      %max3A_72 = arith.maximumf %add3A_69, %max3A_71 : vector<128x128xf32>
      %get3A_73 = arith.constant 0 : index
      %get3A_74 = arith.constant 0 : index
      %get3A_75 = vector.load %arg9[%get3A_73, %get3A_74] : memref<128x16xf32, #tpu.memory_space<vmem>>, vector<128x16xf32>
      %dot_general3A_76 = arith.constant dense<0.000000e+00> : vector<128x16xf32>
      %dot_general3A_77 = tpu.matmul %max3A_72, %get3A_75, %dot_general3A_76 {dimension_numbers = #tpu.dot_dimension_numbers<[1], [0], [0], [1], [0, 0, 1, 1], [], []>, transpose_lhs_hint = false} : vector<128x128xf32>, vector<128x16xf32>, vector<128x16xf32> -> vector<128x16xf32>
      %get3A_78 = arith.constant 0 : index
      %get3A_79 = arith.constant 0 : index
      %get3A_80 = vector.load %arg10[%get3A_78, %get3A_79] : memref<1x16xf32, #tpu.memory_space<vmem>>, vector<1x16xf32>
      %add3A_81 = vector.broadcast %get3A_80 : vector<1x16xf32> to vector<128x16xf32>
      %add3A_82 = arith.addf %dot_general3A_77, %add3A_81 : vector<128x16xf32>
      %swap3A_83 = arith.constant 0 : index
      %swap3A_84 = arith.constant 0 : index
      %swap3A_85 = vector.load %arg11[%swap3A_83, %swap3A_84] : memref<128x16xf32, #tpu.memory_space<vmem>>, vector<128x16xf32>
      tpu.vector_store %arg11[%swap3A_83, %swap3A_84], %add3A_82 {strides = array<i32>} : memref<128x16xf32, #tpu.memory_space<vmem>>, vector<128x16xf32>,
    } else {
    }
    return
  }
  func.func @transform_0(%arg0: i32) -> (i32, i32) {
    %c0_i32 = arith.constant 0 : i32
    %c0_i32_0 = arith.constant 0 : i32
    return %arg0, %c0_i32 : i32, i32
  }
  func.func @transform_1(%arg0: i32) -> (i32, i32) {
    %c0_i32 = arith.constant 0 : i32
    %c0_i32_0 = arith.constant 0 : i32
    return %arg0, %c0_i32 : i32, i32
  }
  func.func @transform_2(%arg0: i32) -> (i32, i32) {
    %c0_i32 = arith.constant 0 : i32
    %c0_i32_0 = arith.constant 0 : i32
    return %arg0, %c0_i32 : i32, i32
  }
  func.func @transform_3(%arg0: i32) -> (i32, i32) {
    %c0_i32 = arith.constant 0 : i32
    %c0_i32_0 = arith.constant 0 : i32
    return %arg0, %c0_i32 : i32, i32
  }
  func.func @transform_4(%arg0: i32) -> (i32, i32) {
    %c0_i32 = arith.constant 0 : i32
    %c0_i32_0 = arith.constant 0 : i32
    %c0_i32_1 = arith.constant 0 : i32
    return %c0_i32, %c0_i32_0 : i32, i32
  }
  func.func @transform_5(%arg0: i32) -> (i32, i32) {
    %c0_i32 = arith.constant 0 : i32
    %c0_i32_0 = arith.constant 0 : i32
    return %arg0, %c0_i32 : i32, i32
  }
  func.func @transform_6(%arg0: i32) -> (i32, i32) {
    %c0_i32 = arith.constant 0 : i32
    %c0_i32_0 = arith.constant 0 : i32
    %c0_i32_1 = arith.constant 0 : i32
    return %c0_i32, %c0_i32_0 : i32, i32
  }
  func.func @transform_7(%arg0: i32) -> (i32, i32) {
    %c0_i32 = arith.constant 0 : i32
    %c0_i32_0 = arith.constant 0 : i32
    %c0_i32_1 = arith.constant 0 : i32
    return %c0_i32, %c0_i32_0 : i32, i32
  }
  func.func @transform_8(%arg0: i32) -> (i32, i32) {
    %c0_i32 = arith.constant 0 : i32
    %c0_i32_0 = arith.constant 0 : i32
    %c0_i32_1 = arith.constant 0 : i32
    return %c0_i32, %c0_i32_0 : i32, i32
  }
  func.func @transform_9(%arg0: i32) -> (i32, i32) {
    %c0_i32 = arith.constant 0 : i32
    %c0_i32_0 = arith.constant 0 : i32
    %c0_i32_1 = arith.constant 0 : i32
    return %c0_i32, %c0_i32_0 : i32, i32
  }
  func.func @transform_10(%arg0: i32) -> (i32, i32) {
    %c0_i32 = arith.constant 0 : i32
    %c0_i32_0 = arith.constant 0 : i32
    %c0_i32_1 = arith.constant 0 : i32
    return %c0_i32, %c0_i32_0 : i32, i32
  }
}

</mosaic_0001>

<sc_bundles>
// kernel: kernel.12.cloned.1.call-start
scs
__scs_entry_jumppad:
0x0: {  	(pc) =	sbr.rel $0x88, $3  }
0x1: {  	(tag) =	ssettag $0x0;
	lr =	simm.s32 $0x1  }
0x2: {  	[smem:$0x3F96] =	sst lr;
	_ =	strace $0xD0000000  }
0x3: {  	_ = 	snop  }
0x4: {  	_ = 	snop  }
0x5: {  	_ = 	snop  }
0x6: {  	_ = 	snop  }
0x7: {  	_ = 	snop  }
__scs_overlays_trampoline_lowered:
0x8: {  	[smem:$0x3FA5] =	sst s0  }
0x9: {  	[smem:$0x3FA6] =	sst s1  }
0xa: {  	[smem:$0x3FA7] =	sst s2  }
0xb: {  	[smem:$0x3FA8] =	sst s3  }
0xc: {  	[smem:$0x3FA9] =	sst s4  }
0xd: {  	[smem:$0x3FAA] =	sst s5  }
0xe: {  	[smem:$0x3FAB] =	sst s6  }
0xf: {  	[smem:$0x3FAC] =	sst s7  }
0x10: {  	[smem:$0x3FAD] =	sst s8  }
0x11: {  	[smem:$0x3FAE] =	sst s9;
	s0 =	simm.s32 @!p0 $0x0  }
0x12: {  	s1 =	sld [smem:$0x3F94];
	s0 =	simm.s32 @p0 $0x1  }
0x13: {  	[smem:$0x3FAF] =	sst s0;
	s0 =	simm.s32 @!p1 $0x0  }
0x14: {  	s2 =	sld [smem:$0x3F93];
	s0 =	simm.s32 @p1 $0x1  }
0x15: {  	[smem:$0x3FB0] =	sst s0;
	s0 =	simm.s32 @!p2 $0x0  }
0x16: {  	s3 =	sld [smem:$0x3FDB];
	s0 =	simm.s32 @p2 $0x1  }
0x17: {  	s4 =	simm.s32 $0x1BF5;
	[smem:$0x3FB2] =	sst s0  }
0x18: {  	s0 =	sld [smem:$0x3F95];
	_ =	swait.ge [sflag:s4], $0x0  }
0x19: {  	s7 =	sld [smem:$0x3F96]  }
0x1a: {  	s8 =	sadd.s32 $0xFFFFE003, lr  }
0x1b: {  	s9 =	sadd.s32 $0xFFFFFEF7, lr;
	s5 =	simm.s32 $0xFFFFFFFF;
	p2 =	slt.u32 s8, $0xFFFFF086  }
0x1c: {  	p1 =	slt.u32 s9, $0xF7A;
	s5 =	simm.s32 @!p2 $0x0  }
0x1d: {  	s5 =	simm.s32 @p1 $0x1;
	p0 =	seq.s32 s7, s2  }
0x1e: {  	s7 =	smul.u32 @!p0 $0xF7A, s2;
	p2 =	seq.s32 @!p0 s5, $0x0  }
0x1f: {  	s9 =	smul.u32 $0xF7A, s1;
	s8 =	simm.s32 @!p0 $0x1BF5;
	p2 =	por !p2, p0  }
0x20: {  	[sflag:s8] =	ssyncset.s32 @!p0 $0xFFFFF086;
	s6 =	sadd.s32 @!p0 s3, s7;
	s7 =	simm.s32 @!p0 $0x108  }
0x21: {  	s3 =	sadd.s32 s3, s9;
	s6 =	sadd.s32 @!p0 $0x88, s6;
	s7 =	simm.s32 @p2 $0x1082  }
0x22: {  	[simem:s7], [sflag:s8] =	dma.local @!p0 [hbm:s6], $0xF7A  }
0x23: {  	s9 =	sor.u32 $0xD0000000, s2;
	s6 =	simm.s32 $0x108;
	_ =	swait.ge @!p0 [sflag:s8], $0x0  }
0x24: {  	s3 =	sadd.s32 $0x88, s3;
	s6 =	simm.s32 @!p1 $0x1082;
	[sflag:s4] =	ssyncset.s32 $0xFFFFF086  }
0x25: {  	[simem:s6], [sflag:s4] =	dma.local [hbm:s3], $0xF7A  }
0x26: {  	[smem:$0x3F96] =	sst s1;
	(tag) =	ssettag s2;
	_ =	strace s9  }
0x27: {  	s1 =	sld [smem:$0x3FA6]  }
0x28: {  	s2 =	sld [smem:$0x3FA7]  }
0x29: {  	s4 =	sld [smem:$0x3FA9]  }
0x2a: {  	p0 =	seq.s32 s5, $0x0;
	s5 =	sld [smem:$0x3FAA]  }
0x2b: {  	s6 =	sld [smem:$0x3FAB]  }
0x2c: {  	s7 =	sld [smem:$0x3FAC]  }
0x2d: {  	s3 =	simm.s32 $0x108;
	s8 =	sld [smem:$0x3FAD]  }
0x2e: {  	s3 =	simm.s32 @!p0 $0x1082;
	s9 =	sld [smem:$0x3FAE]  }
0x2f: {  	lr =	sadd.s32 s0, s3;
	s0 =	sld [smem:$0x3FA5]  }
0x30: {  	s3 =	sld [smem:$0x3FA8]  }
0x31: {  	[smem:$0x3FB1] =	sst s10  }
0x32: {  	s10 =	sld [smem:$0x3FAF];
	_ =	sdelay $0x3  }
0x33: {  	p0 =	seq.s32 s10, $0x1;
	s10 =	sld [smem:$0x3FB1];
	_ =	sdelay $0x3  }
0x34: {  	[smem:$0x3FB1] =	sst s10  }
0x35: {  	s10 =	sld [smem:$0x3FB0];
	_ =	sdelay $0x3  }
0x36: {  	p1 =	seq.s32 s10, $0x1;
	s10 =	sld [smem:$0x3FB1];
	_ =	sdelay $0x3  }
0x37: {  	[smem:$0x3FB1] =	sst s10  }
0x38: {  	s10 =	sld [smem:$0x3FB2]  }
0x39: {  	_ = 	snop;
	(pc) =	sbr.ind lr, $3  }
0x3a: {  	_ = 	snop  }
0x3b: {  	_ = 	snop  }
0x3c: {  	p2 =	seq.s32 s10, $0x1;
	s10 =	sld [smem:$0x3FB1]  }
0x3d: {  	_ =	shalt  }
0x3e: {  	_ =	shalt  }
0x3f: {  	_ =	shalt  }
0x40: {  	_ =	shalt  }
0x41: {  	_ =	shalt  }
0x42: {  	_ =	shalt  }
0x43: {  	_ =	shalt  }
0x44: {  	_ =	shalt  }
0x45: {  	_ =	shalt  }
0x46: {  	_ =	shalt  }
0x47: {  	_ =	shalt  }
0x48: {  	_ =	shalt  }
0x49: {  	_ =	shalt  }
0x4a: {  	_ =	shalt  }
0x4b: {  	_ =	shalt  }
0x4c: {  	_ =	shalt  }
0x4d: {  	_ =	shalt  }
0x4e: {  	_ =	shalt  }
0x4f: {  	_ =	shalt  }
0x50: {  	_ =	shalt  }
0x51: {  	_ =	shalt  }
0x52: {  	_ =	shalt  }
0x53: {  	_ =	shalt  }
0x54: {  	_ =	shalt  }
0x55: {  	_ =	shalt  }
0x56: {  	_ =	shalt  }
0x57: {  	_ =	shalt  }
0x58: {  	_ =	shalt  }
0x59: {  	_ =	shalt  }
0x5a: {  	_ =	shalt  }
0x5b: {  	_ =	shalt  }
0x5c: {  	_ =	shalt  }
0x5d: {  	_ =	shalt  }
0x5e: {  	_ =	shalt  }
0x5f: {  	_ =	shalt  }
0x60: {  	_ =	shalt  }
0x61: {  	_ =	shalt  }
0x62: {  	_ =	shalt  }
0x63: {  	_ =	shalt  }
0x64: {  	_ =	shalt  }
0x65: {  	_ =	shalt  }
0x66: {  	_ =	shalt  }
0x67: {  	_ =	shalt  }
0x68: {  	_ =	shalt  }
0x69: {  	_ =	shalt  }
0x6a: {  	_ =	shalt  }
0x6b: {  	_ =	shalt  }
0x6c: {  	_ =	shalt  }
0x6d: {  	_ =	shalt  }
0x6e: {  	_ =	shalt  }
0x6f: {  	_ =	shalt  }
0x70: {  	_ =	shalt  }
0x71: {  	_ =	shalt  }
0x72: {  	_ =	shalt  }
0x73: {  	_ =	shalt  }
0x74: {  	_ =	shalt  }
0x75: {  	_ =	shalt  }
0x76: {  	_ =	shalt  }
0x77: {  	_ =	shalt  }
0x78: {  	_ =	shalt  }
0x79: {  	_ =	shalt  }
0x7a: {  	_ =	shalt  }
0x7b: {  	_ =	shalt  }
0x7c: {  	_ =	shalt  }
0x7d: {  	_ =	shalt  }
0x7e: {  	_ =	shalt  }
0x7f: {  	_ =	shalt  }
0x80: {  	_ =	shalt  }
0x81: {  	_ =	shalt  }
0x82: {  	_ =	shalt  }
0x83: {  	_ =	shalt  }
0x84: {  	_ =	shalt  }
0x85: {  	_ =	shalt  }
0x86: {  	_ =	shalt  }
0x87: {  	_ =	shalt  }
.Lfunc_end0:
.L_simem_size_0:
called_computation.1_lowered:
.L_overlay_start_0:
0x88: {  	s2 =	sld [smem:$0x3FD9]  }
0x89: {  	s3 =	sld [smem:$0x3FFE];
	_ =	sdelay $0x1  }
0x8a: {  	s1 =	srdreg.scid  }
0x8b: {  	s0 =	sand.u32 $0x1, s1  }
0x8c: {  	s16 =	sshll.u32 s0, $0xA;
	s2 =	sadd.s32 s3, s2  }
0x8d: {  	s2 =	sadd.s32 s2, s16  }
0x8e: {  	[smem:$0x3FBD] =	sst s2  }
0x8f: {  	_ = 	snop  }
0x90: {  	(tm) =	ssettm $0x1  }
0x91: {  	s17 =	sld [smem:$0x3FFB];
	_ =	sdelay $0x3  }
0x92: {  	_ =	strace s17  }
0x93: {  	s2 =	sld [smem:$0x3FFC];
	_ =	sdelay $0x3  }
0x94: {  	_ =	strace s2  }
0x95: {  	s2 =	sld [smem:$0x3FFD];
	_ =	sdelay $0x3  }
0x96: {  	_ =	strace s2  }
0x97: {  	_ =	strace $0x8FFFFFFF  }
0x98: {  	s18 =	sld [smem:$0x3FDB];
	_ =	sdelay $0x1  }
0x99: {  	s19 =	simm.s32 $_scs_section_size  }
0x9a: {  	s4 =	simm.s32 $_size__tile_overlayer_lowered;
	s5 =	simm.s32 $_tile_overlayer_lowered  }
0x9b: {  	s22 =	simm.s32 $0x1BFF;
	s21 =	sshll.u32 s5, $0x1;
	s2 =	sadd.s32 s19, s18  }
0x9c: {  	s6 =	simm.s32 $0x0;
	s20 =	sshll.u32 s4, $0x1;
	s4 =	sadd.s32 s21, s2  }
0x9d: {  	[timem:s6], [sflag:s22] =	dma.local [hbm:s4], s20  }
0x9e: {  	_ =	swait.ge [sflag:s22], s20  }
0x9f: {  	s3 =	ssub.s32 $0x0, s20;
	[sflag:s22] =	ssyncset.done $0x0  }
0xa0: {  	[sflag:s22] =	ssyncadd.s32 s3;
	_ =	sdelay $0x1  }
0xa1: {  	s23 =	simm.s32 $0x1B8B  }
0xa2: {  	_ =	swait.ge [sflag:s23], $0x1  }
0xa3: {  	[sflag:s23] =	ssyncset.done $0x0  }
0xa4: {  	s25 =	simm.s32 $0x1B8E;
	s24 =	sld [smem:$0x3FFE];
	[sflag:s23] =	ssyncadd.s32 $0xFFFFFFFF  }
0xa5: {  	s26 =	simm.s32 $execute0_lowered;
	[smem:$0x3FD2] =	sst s25  }
0xa6: {  	s4 =	sshll.u32 s26, $0x1;
	_ =	strace $0x80000049;
	[dreg:$0x1] =	wrdreg $0xFFFFFFFF  }
0xa7: {  	s28 =	simm.s32 $_size_execute0_lowered;
	s2 =	sadd.s32 s2, s4;
	[dreg:$0x0] =	wrdreg $0x0  }
0xa8: {  	s4 =	sshll.u32 s28, $0x1;
	[dreg:$0x2] =	wrdreg s2  }
0xa9: {  	[dreg:$0x3] =	wrdreg s4  }
0xaa: {  	[dreg:$0x4] =	wrdreg $0xC0  }
0xab: {  	_ =	task [dreg:s6], $0x5FFFF  }
0xac: {  	[dreg:$0x1] =	wrdreg $0xFFFFFFFF  }
0xad: {  	[dreg:$0x0] =	wrdreg $0x60  }
0xae: {  	[dreg:$0x2] =	wrdreg s24  }
0xaf: {  	[dreg:$0x3] =	wrdreg $0x90000  }
0xb0: {  	[dreg:$0x4] =	wrdreg $0x9  }
0xb1: {  	_ =	task.clear_ibuf [dreg:s6], $0x5FFFF;
	_ =	strace $0x90000049  }
0xb2: {  	s29 =	simm.s32 $0x9;
	_ =	strace $0x8000004B  }
0xb3: {  	_ =	swait.ge [sflag:s29], $0x1  }
0xb4: {  	[sflag:s29] =	ssyncadd.s32 $0xFFFFFFFF  }
0xb5: {  	_ =	strace $0x9000004B  }
0xb6: {  	_ =	sfence  }
0xb7: {  	s30 =	sld [smem:$0x0];
	_ =	sdelay $0x2  }
0xb8: {  	s31 =	sshll.u32 s1, $0xD;
	s1 =	sshrl.u32 s1, $0x2  }
0xb9: {  	s3 =	sand.u32 $0x4000, s31;
	s1 =	sadd.s32 s1, s30  }
0xba: {  	s0 =	sor.u32 s3, s0;
	s1 =	sshll.u32 s1, $0x11  }
0xbb: {  	s0 =	sor.u32 s1, s0  }
0xbc: {  	s0 =	sadd.s32 $0x8F2B, s0  }
0xbd: {  	[sflag:s0] =	ssyncadd.remote.s32 $0x1  }
0xbe: {  	_ =	sfence.sel $0xFFFF  }
0xbf: {  	[dreg:$0x0] =	wrdreg $0xFFFFFFFF;
	(pc) =	sbr.abs _section_cstart, $3  }
0xc0: {  	[dreg:$0x1] =	wrdreg $0xFFFFFFFF  }
0xc1: {  	_ =	task.clear_ibuf [dreg:s6], $0x2FFFF;
	_ =	strace $0x9FFFFFFF  }
0xc2: {  	(tm) =	ssettm $0x7FFFFFFF  }
0xc3: {  	_ =	shalt  }
tec
execute0_lowered:
.L_overlay_start_1:
0x0: {  	(tag) =	ssettag $0x1  }
0x1: {  	s1 =	srdreg.scid  }
0x2: {  	s0 =	stileid.u32;
	s7 =	rddreg [dreg:$0x0]  }
0x3: {  	s2 =	rddreg [dreg:$0x1];
	s3 =	simm.s32 $0x0;
	s14 =	simm.s32 $0x80  }
0x4: {  	s15 =	simm.s32 $0x5000;
	s16 =	simm.s32 $0x1;
	s17 =	simm.s32 $0x0  }
0x5: {  	s6 =	sand.u32 $0x1, s1;
	s26 =	sshll.u32 s0, $0x1;
	s9 =	smul.u32 $0x13C00, s0  }
0x6: {  	[smem:$0x7FF] =	sst s3;
	s4 =	sadd.s32 $0x10600, s7;
	s28 =	smul.u32 $0x4F000, s0  }
0x7: {  	s31 =	sshll.u32 s0, $0x6;
	s1 =	sor.u32 s6, s26;
	s8 =	smul.u32 $0x13C000, s6  }
0x8: {  	s6 =	ssub.s32 $0x2, s6;
	s5 =	smul.u32 $0x500, s1;
	s1 =	rddreg [dreg:$0x2]  }
0x9: {  	_ =	strace $0x8000004A;
	s29 =	sshrl.u32 s6, $0x1;
	s30 =	sshrl.u32 s28, $0x2  }
0xa: {  	s8 =	sadd.s32 s9, s8;
	s12 =	ssub.s32 s6, s29;
	s13 =	sadd.s32 s30, s2  }
0xb: {  	s6 =	sor.u32 $0x1C02, s31;
	s10 =	sadd.s32 s5, s7;
	s8 =	sshrl.u32 s8, $0x3  }
0xc: {  	s5 =	sadd.s32 $0xDE00, s7;
	s11 =	sadd.s32 s8, s7;
	s7 =	sadd.s32 $0x5FE00, s10  }
0xd: {  	s8 =	sadd.s32 $0x3E00, s10;
	s10 =	smax.u32 s12, $0x1;
	s12 =	simm.s32 $0x2  }
0xe: {  	s9 =	sadd.s32 $0x69E00, s11;
	s11 =	sshrl.u32 s13, $0x3;
	s13 =	simm.s32 $0x2800  }
.LBB2_1:
0xf: {  	[spmem:s11], [sflag:s6] =	dma.local [hbm:s5], $0x2780  }
0x10: {  	_ =	swait.ge [sflag:s12], $0x2780  }
0x11: {  	[sflag:s12] =	ssyncset.done $0x0  }
0x12: {  	[sflag:s12] =	ssyncadd.s32 $0xFFFFD880  }
0x13: {  	[tilespmem:s3], [sflag:$0x2] =	stream.linear.gather [hbm4b:s7+s3], $0x2780, $0x38;
	[tilespmem:$0x1CC00] =	vst v63  }
0x14: {  	_ =	swait.ge [sflag:s12], $0x2780  }
0x15: {  	[sflag:s12] =	ssyncset.done $0x0  }
0x16: {  	[sflag:s12] =	ssyncadd.s32 $0xFFFFD880  }
0x17: {  	[tilespmem:s13], [sflag:$0x2] =	stream.linear.gather [hbm4b:s8+s3], $0x2780, $0x38;
	[tilespmem:$0x1CC00] =	vst v63  }
0x18: {  	_ =	swait.ge [sflag:s12], $0x2780  }
0x19: {  	[sflag:s12] =	ssyncset.done $0x0  }
0x1a: {  	[sflag:s12] =	ssyncadd.s32 $0xFFFFD880  }
0x1b: {  	s18 =	simm.s32 $0x0;
	[bflag:$0x0] =	sbarrier.arrive $0xFFFF  }
0x1c: {  	[tilespmem:s15], [sflag:$0x1] =	stream.indirect.gather [hbm4b:s4+s14], $0x80, s18, s14, $0xb8;
	[tilespmem:$0x1CC00] =	vst v63  }
0x1d: {  	_ =	swait.ge [sflag:s16], $0x4000  }
0x1e: {  	[sflag:s16] =	ssyncset.done $0x0  }
0x1f: {  	s31 =	simm.s32 $0x2800;
	[sflag:s16] =	ssyncadd.s32 $0xFFFFC000  }
0x20: {  	[spmem:s2] =	stream.indirect.scatter.add.f32 [tilespmem:s15], [sflag:$0x2], $0x80, s31, s14, $0xb8;
	[tilespmem:$0x1CC00] =	vst v63  }
0x21: {  	_ =	swait.ge [sflag:s12], $0x4000  }
0x22: {  	s19 =	simm.s32 $0x400;
	s18 =	simm.s32 $0x200;
	[sflag:s12] =	ssyncset.done $0x0  }
.LBB2_2:
0x23: {  	s20 =	sshra.s32 s18, $0x2  }
0x24: {  	[sflag:s12] =	ssyncadd.s32 $0xFFFFC000;
	s18 =	smov.u32 s19;
	s21 =	sadd.s32 $0x200, s19  }
0x25: {  	[tilespmem:s15], [sflag:$0x1] =	stream.indirect.gather [hbm4b:s4+s14], $0x80, s20, s14, $0xb8;
	[tilespmem:$0x1CC00] =	vst v63  }
0x26: {  	p0 =	sne.s32 s19, $0x9C00;
	_ =	swait.ge [sflag:s16], $0x4000  }
.Ltmp0:
0x27: {  	[sflag:s16] =	ssyncset.done $0x0;
	(pc) =	sbr.rel @p0 .LBB2_2-.Ltmp0, $4  }
0x28: {  	s19 =	sadd.s32 $0x2800, s20;
	[sflag:s16] =	ssyncadd.s32 $0xFFFFC000  }
0x29: {  	[spmem:s2] =	stream.indirect.scatter.add.f32 [tilespmem:s15], [sflag:$0x2], $0x80, s19, s14, $0xb8;
	[tilespmem:$0x1CC00] =	vst v63  }
0x2a: {  	_ =	swait.ge [sflag:s12], $0x4000  }
0x2b: {  	s19 =	smov.u32 s21;
	[sflag:s12] =	ssyncset.done $0x0  }
0x2c: {  	s18 =	sshra.s32 s18, $0x2;
	[sflag:s12] =	ssyncadd.s32 $0xFFFFC000  }
0x2d: {  	[tilespmem:s15], [sflag:$0x1] =	stream.indirect.gather [hbm4b:s4+s14], $0x80, s18, s14, $0xb8;
	[tilespmem:$0x1CC00] =	vst v63  }
0x2e: {  	_ =	swait.ge [sflag:s16], $0x4000  }
0x2f: {  	[sflag:s16] =	ssyncset.done $0x0  }
0x30: {  	s18 =	sadd.s32 $0x2800, s18;
	[sflag:s16] =	ssyncadd.s32 $0xFFFFC000  }
0x31: {  	[spmem:s2] =	stream.indirect.scatter.add.f32 [tilespmem:s15], [sflag:$0x2], $0x80, s18, s14, $0xb8;
	[tilespmem:$0x1CC00] =	vst v63  }
0x32: {  	_ =	swait.ge [sflag:s12], $0x4000  }
0x33: {  	s17 =	sadd.s32 $0x1, s17;
	[sflag:s12] =	ssyncset.done $0x0  }
0x34: {  	p0 =	sne.s32 s17, s10;
	[sflag:s12] =	ssyncadd.s32 $0xFFFFC000  }
.Ltmp1:
0x35: {  	[bflag:$0x0] =	sbarrier.arrive $0xFFFF;
	(pc) =	sbr.rel @p0 .LBB2_1-.Ltmp1, $4  }
0x36: {  	[hbm:s9], [sflag:s6] =	dma.local [spmem:s11], $0x2780  }
0x37: {  	_ =	swait.ge [sflag:s12], $0x2780  }
0x38: {  	[sflag:s12] =	ssyncset.done $0x0  }
0x39: {  	[sflag:s12] =	ssyncadd.s32 $0xFFFFD880  }
0x3a: {  	_ =	sfence.sel $0x180000  }
0x3b: {  	[bflag:$0x0] =	sbarrier.arrive $0xFFFF  }
0x3c: {  	p0 =	sne.s32 s0, $0x0;
	_ =	strace $0x9000004A  }
0x3d: {  	s0 =	sadd.s32 @!p0 $0x100000, s1;
	[bflag:$0x2] =	sbarrier.arrive $0xFFFF  }
0x3e: {  	[sflag:s0] =	ssyncadd.tile.s32 @!p0 $0x1;
	_ =	shalt  }
.Lfunc_end2:
_tile_overlayer_lowered:
.L_overlay_start_2:
0x3f: {  	(tag) =	ssettag $0x2  }
0x40: {  	s0 =	rddreg [dreg:$0x0];
	s2 =	stileid.u32  }
0x41: {  	s1 =	rddreg [dreg:$0x1];
	p0 =	sne.s32 s2, $0x0  }
0x42: {  	s3 =	rddreg [dreg:$0x2];
	[bflag:$0x3] =	sbarrier.arrive $0xFFFF;
	s2 =	simm.s32 @!p0 $0x1C02  }
0x43: {  	[timem:s3], [sflag:s2] =	dma.local @!p0 [hbm:s0], s1  }
0x44: {  	s0 =	simm.s32 @!p0 $0x2  }
0x45: {  	_ =	swait.ge @!p0 [sflag:s0], s1  }
0x46: {  	s1 =	ssub.s32 @!p0 $0x0, s1;
	[sflag:s0] =	ssyncset.done @!p0 $0x0  }
0x47: {  	[sflag:s0] =	ssyncadd.s32 @!p0 s1  }
0x48: {  	[bflag:$0x3] =	sbarrier.arrive $0xFFFF  }
0x49: {  	_ =	shalt  }

// kernel: kernel.15.cloned.1.call-start
scs
__scs_entry_jumppad:
0x0: {  	(pc) =	sbr.rel $0x88, $3  }
0x1: {  	(tag) =	ssettag $0x0;
	lr =	simm.s32 $0x1  }
0x2: {  	[smem:$0x3F96] =	sst lr;
	_ =	strace $0xD0000000  }
0x3: {  	_ = 	snop  }
0x4: {  	_ = 	snop  }
0x5: {  	_ = 	snop  }
0x6: {  	_ = 	snop  }
0x7: {  	_ = 	snop  }
__scs_overlays_trampoline_lowered:
0x8: {  	[smem:$0x3FA5] =	sst s0  }
0x9: {  	[smem:$0x3FA6] =	sst s1  }
0xa: {  	[smem:$0x3FA7] =	sst s2  }
0xb: {  	[smem:$0x3FA8] =	sst s3  }
0xc: {  	[smem:$0x3FA9] =	sst s4  }
0xd: {  	[smem:$0x3FAA] =	sst s5  }
0xe: {  	[smem:$0x3FAB] =	sst s6  }
0xf: {  	[smem:$0x3FAC] =	sst s7  }
0x10: {  	[smem:$0x3FAD] =	sst s8  }
0x11: {  	[smem:$0x3FAE] =	sst s9;
	s0 =	simm.s32 @!p0 $0x0  }
0x12: {  	s1 =	sld [smem:$0x3F94];
	s0 =	simm.s32 @p0 $0x1  }
0x13: {  	[smem:$0x3FAF] =	sst s0;
	s0 =	simm.s32 @!p1 $0x0  }
0x14: {  	s2 =	sld [smem:$0x3F93];
	s0 =	simm.s32 @p1 $0x1  }
0x15: {  	[smem:$0x3FB0] =	sst s0;
	s0 =	simm.s32 @!p2 $0x0  }
0x16: {  	s3 =	sld [smem:$0x3FDB];
	s0 =	simm.s32 @p2 $0x1  }
0x17: {  	s4 =	simm.s32 $0x1BF5;
	[smem:$0x3FB2] =	sst s0  }
0x18: {  	s0 =	sld [smem:$0x3F95];
	_ =	swait.ge [sflag:s4], $0x0  }
0x19: {  	s7 =	sld [smem:$0x3F96]  }
0x1a: {  	s8 =	sadd.s32 $0xFFFFE003, lr  }
0x1b: {  	s9 =	sadd.s32 $0xFFFFFEF7, lr;
	s5 =	simm.s32 $0xFFFFFFFF;
	p2 =	slt.u32 s8, $0xFFFFF086  }
0x1c: {  	p1 =	slt.u32 s9, $0xF7A;
	s5 =	simm.s32 @!p2 $0x0  }
0x1d: {  	s5 =	simm.s32 @p1 $0x1;
	p0 =	seq.s32 s7, s2  }
0x1e: {  	s7 =	smul.u32 @!p0 $0xF7A, s2;
	p2 =	seq.s32 @!p0 s5, $0x0  }
0x1f: {  	s9 =	smul.u32 $0xF7A, s1;
	s8 =	simm.s32 @!p0 $0x1BF5;
	p2 =	por !p2, p0  }
0x20: {  	[sflag:s8] =	ssyncset.s32 @!p0 $0xFFFFF086;
	s6 =	sadd.s32 @!p0 s3, s7;
	s7 =	simm.s32 @!p0 $0x108  }
0x21: {  	s3 =	sadd.s32 s3, s9;
	s6 =	sadd.s32 @!p0 $0x88, s6;
	s7 =	simm.s32 @p2 $0x1082  }
0x22: {  	[simem:s7], [sflag:s8] =	dma.local @!p0 [hbm:s6], $0xF7A  }
0x23: {  	s9 =	sor.u32 $0xD0000000, s2;
	s6 =	simm.s32 $0x108;
	_ =	swait.ge @!p0 [sflag:s8], $0x0  }
0x24: {  	s3 =	sadd.s32 $0x88, s3;
	s6 =	simm.s32 @!p1 $0x1082;
	[sflag:s4] =	ssyncset.s32 $0xFFFFF086  }
0x25: {  	[simem:s6], [sflag:s4] =	dma.local [hbm:s3], $0xF7A  }
0x26: {  	[smem:$0x3F96] =	sst s1;
	(tag) =	ssettag s2;
	_ =	strace s9  }
0x27: {  	s1 =	sld [smem:$0x3FA6]  }
0x28: {  	s2 =	sld [smem:$0x3FA7]  }
0x29: {  	s4 =	sld [smem:$0x3FA9]  }
0x2a: {  	p0 =	seq.s32 s5, $0x0;
	s5 =	sld [smem:$0x3FAA]  }
0x2b: {  	s6 =	sld [smem:$0x3FAB]  }
0x2c: {  	s7 =	sld [smem:$0x3FAC]  }
0x2d: {  	s3 =	simm.s32 $0x108;
	s8 =	sld [smem:$0x3FAD]  }
0x2e: {  	s3 =	simm.s32 @!p0 $0x1082;
	s9 =	sld [smem:$0x3FAE]  }
0x2f: {  	lr =	sadd.s32 s0, s3;
	s0 =	sld [smem:$0x3FA5]  }
0x30: {  	s3 =	sld [smem:$0x3FA8]  }
0x31: {  	[smem:$0x3FB1] =	sst s10  }
0x32: {  	s10 =	sld [smem:$0x3FAF];
	_ =	sdelay $0x3  }
0x33: {  	p0 =	seq.s32 s10, $0x1;
	s10 =	sld [smem:$0x3FB1];
	_ =	sdelay $0x3  }
0x34: {  	[smem:$0x3FB1] =	sst s10  }
0x35: {  	s10 =	sld [smem:$0x3FB0];
	_ =	sdelay $0x3  }
0x36: {  	p1 =	seq.s32 s10, $0x1;
	s10 =	sld [smem:$0x3FB1];
	_ =	sdelay $0x3  }
0x37: {  	[smem:$0x3FB1] =	sst s10  }
0x38: {  	s10 =	sld [smem:$0x3FB2]  }
0x39: {  	_ = 	snop;
	(pc) =	sbr.ind lr, $3  }
0x3a: {  	_ = 	snop  }
0x3b: {  	_ = 	snop  }
0x3c: {  	p2 =	seq.s32 s10, $0x1;
	s10 =	sld [smem:$0x3FB1]  }
0x3d: {  	_ =	shalt  }
0x3e: {  	_ =	shalt  }
0x3f: {  	_ =	shalt  }
0x40: {  	_ =	shalt  }
0x41: {  	_ =	shalt  }
0x42: {  	_ =	shalt  }
0x43: {  	_ =	shalt  }
0x44: {  	_ =	shalt  }
0x45: {  	_ =	shalt  }
0x46: {  	_ =	shalt  }
0x47: {  	_ =	shalt  }
0x48: {  	_ =	shalt  }
0x49: {  	_ =	shalt  }
0x4a: {  	_ =	shalt  }
0x4b: {  	_ =	shalt  }
0x4c: {  	_ =	shalt  }
0x4d: {  	_ =	shalt  }
0x4e: {  	_ =	shalt  }
0x4f: {  	_ =	shalt  }
0x50: {  	_ =	shalt  }
0x51: {  	_ =	shalt  }
0x52: {  	_ =	shalt  }
0x53: {  	_ =	shalt  }
0x54: {  	_ =	shalt  }
0x55: {  	_ =	shalt  }
0x56: {  	_ =	shalt  }
0x57: {  	_ =	shalt  }
0x58: {  	_ =	shalt  }
0x59: {  	_ =	shalt  }
0x5a: {  	_ =	shalt  }
0x5b: {  	_ =	shalt  }
0x5c: {  	_ =	shalt  }
0x5d: {  	_ =	shalt  }
0x5e: {  	_ =	shalt  }
0x5f: {  	_ =	shalt  }
0x60: {  	_ =	shalt  }
0x61: {  	_ =	shalt  }
0x62: {  	_ =	shalt  }
0x63: {  	_ =	shalt  }
0x64: {  	_ =	shalt  }
0x65: {  	_ =	shalt  }
0x66: {  	_ =	shalt  }
0x67: {  	_ =	shalt  }
0x68: {  	_ =	shalt  }
0x69: {  	_ =	shalt  }
0x6a: {  	_ =	shalt  }
0x6b: {  	_ =	shalt  }
0x6c: {  	_ =	shalt  }
0x6d: {  	_ =	shalt  }
0x6e: {  	_ =	shalt  }
0x6f: {  	_ =	shalt  }
0x70: {  	_ =	shalt  }
0x71: {  	_ =	shalt  }
0x72: {  	_ =	shalt  }
0x73: {  	_ =	shalt  }
0x74: {  	_ =	shalt  }
0x75: {  	_ =	shalt  }
0x76: {  	_ =	shalt  }
0x77: {  	_ =	shalt  }
0x78: {  	_ =	shalt  }
0x79: {  	_ =	shalt  }
0x7a: {  	_ =	shalt  }
0x7b: {  	_ =	shalt  }
0x7c: {  	_ =	shalt  }
0x7d: {  	_ =	shalt  }
0x7e: {  	_ =	shalt  }
0x7f: {  	_ =	shalt  }
0x80: {  	_ =	shalt  }
0x81: {  	_ =	shalt  }
0x82: {  	_ =	shalt  }
0x83: {  	_ =	shalt  }
0x84: {  	_ =	shalt  }
0x85: {  	_ =	shalt  }
0x86: {  	_ =	shalt  }
0x87: {  	_ =	shalt  }
.Lfunc_end0:
.L_simem_size_0:
called_computation.2_lowered:
.L_overlay_start_0:
0x88: {  	s2 =	sld [smem:$0x3FD9]  }
0x89: {  	s3 =	sld [smem:$0x3FFE];
	_ =	sdelay $0x1  }
0x8a: {  	s1 =	srdreg.scid  }
0x8b: {  	s0 =	sand.u32 $0x1, s1  }
0x8c: {  	s16 =	sshll.u32 s0, $0xA;
	s2 =	sadd.s32 s3, s2  }
0x8d: {  	s2 =	sadd.s32 s2, s16  }
0x8e: {  	[smem:$0x3FBD] =	sst s2  }
0x8f: {  	_ = 	snop  }
0x90: {  	(tm) =	ssettm $0x1  }
0x91: {  	s17 =	sld [smem:$0x3FFB];
	_ =	sdelay $0x3  }
0x92: {  	_ =	strace s17  }
0x93: {  	s2 =	sld [smem:$0x3FFC];
	_ =	sdelay $0x3  }
0x94: {  	_ =	strace s2  }
0x95: {  	s2 =	sld [smem:$0x3FFD];
	_ =	sdelay $0x3  }
0x96: {  	_ =	strace s2  }
0x97: {  	_ =	strace $0x8FFFFFFF  }
0x98: {  	s18 =	sld [smem:$0x3FDB];
	_ =	sdelay $0x1  }
0x99: {  	s19 =	simm.s32 $_scs_section_size  }
0x9a: {  	s4 =	simm.s32 $_size__tile_overlayer_lowered;
	s5 =	simm.s32 $_tile_overlayer_lowered  }
0x9b: {  	s22 =	simm.s32 $0x1BFF;
	s21 =	sshll.u32 s5, $0x1;
	s2 =	sadd.s32 s19, s18  }
0x9c: {  	s6 =	simm.s32 $0x0;
	s20 =	sshll.u32 s4, $0x1;
	s4 =	sadd.s32 s21, s2  }
0x9d: {  	[timem:s6], [sflag:s22] =	dma.local [hbm:s4], s20  }
0x9e: {  	_ =	swait.ge [sflag:s22], s20  }
0x9f: {  	s3 =	ssub.s32 $0x0, s20;
	[sflag:s22] =	ssyncset.done $0x0  }
0xa0: {  	[sflag:s22] =	ssyncadd.s32 s3;
	_ =	sdelay $0x1  }
0xa1: {  	s23 =	simm.s32 $0x1B8B  }
0xa2: {  	_ =	swait.ge [sflag:s23], $0x1  }
0xa3: {  	[sflag:s23] =	ssyncset.done $0x0  }
0xa4: {  	s25 =	simm.s32 $0x1B8E;
	s24 =	sld [smem:$0x3FFE];
	[sflag:s23] =	ssyncadd.s32 $0xFFFFFFFF  }
0xa5: {  	s26 =	simm.s32 $execute0_lowered;
	[smem:$0x3FD2] =	sst s25  }
0xa6: {  	s4 =	sshll.u32 s26, $0x1;
	_ =	strace $0x8000004C;
	[dreg:$0x1] =	wrdreg $0xFFFFFFFF  }
0xa7: {  	s28 =	simm.s32 $_size_execute0_lowered;
	s2 =	sadd.s32 s2, s4;
	[dreg:$0x0] =	wrdreg $0x0  }
0xa8: {  	s4 =	sshll.u32 s28, $0x1;
	[dreg:$0x2] =	wrdreg s2  }
0xa9: {  	[dreg:$0x3] =	wrdreg s4  }
0xaa: {  	[dreg:$0x4] =	wrdreg $0xC0  }
0xab: {  	_ =	task [dreg:s6], $0x5FFFF  }
0xac: {  	[dreg:$0x1] =	wrdreg $0xFFFFFFFF  }
0xad: {  	[dreg:$0x0] =	wrdreg $0x60  }
0xae: {  	[dreg:$0x2] =	wrdreg s24  }
0xaf: {  	[dreg:$0x3] =	wrdreg $0x90000  }
0xb0: {  	[dreg:$0x4] =	wrdreg $0x9  }
0xb1: {  	_ =	task.clear_ibuf [dreg:s6], $0x5FFFF;
	_ =	strace $0x9000004C  }
0xb2: {  	s29 =	simm.s32 $0x9;
	_ =	strace $0x8000004E  }
0xb3: {  	_ =	swait.ge [sflag:s29], $0x1  }
0xb4: {  	[sflag:s29] =	ssyncadd.s32 $0xFFFFFFFF  }
0xb5: {  	_ =	strace $0x9000004E  }
0xb6: {  	_ =	sfence  }
0xb7: {  	s30 =	sld [smem:$0x0];
	_ =	sdelay $0x2  }
0xb8: {  	s31 =	sshll.u32 s1, $0xD;
	s1 =	sshrl.u32 s1, $0x2  }
0xb9: {  	s3 =	sand.u32 $0x4000, s31;
	s1 =	sadd.s32 s1, s30  }
0xba: {  	s0 =	sor.u32 s3, s0;
	s1 =	sshll.u32 s1, $0x11  }
0xbb: {  	s0 =	sor.u32 s1, s0  }
0xbc: {  	s0 =	sadd.s32 $0x8F2B, s0  }
0xbd: {  	[sflag:s0] =	ssyncadd.remote.s32 $0x1  }
0xbe: {  	_ =	sfence.sel $0xFFFF  }
0xbf: {  	[dreg:$0x0] =	wrdreg $0xFFFFFFFF;
	(pc) =	sbr.abs _section_cstart, $3  }
0xc0: {  	[dreg:$0x1] =	wrdreg $0xFFFFFFFF  }
0xc1: {  	_ =	task.clear_ibuf [dreg:s6], $0x2FFFF;
	_ =	strace $0x9FFFFFFF  }
0xc2: {  	(tm) =	ssettm $0x7FFFFFFF  }
0xc3: {  	_ =	shalt  }
tec
execute0_lowered:
.L_overlay_start_1:
0x0: {  	(tag) =	ssettag $0x1  }
0x1: {  	s1 =	srdreg.scid  }
0x2: {  	s0 =	stileid.u32;
	s7 =	rddreg [dreg:$0x0]  }
0x3: {  	s2 =	rddreg [dreg:$0x1];
	s3 =	simm.s32 $0x0;
	s14 =	simm.s32 $0x80  }
0x4: {  	s15 =	simm.s32 $0x5000;
	s16 =	simm.s32 $0x1;
	s17 =	simm.s32 $0x0  }
0x5: {  	s6 =	sand.u32 $0x1, s1;
	s26 =	sshll.u32 s0, $0x1;
	s9 =	smul.u32 $0x13C00, s0  }
0x6: {  	[smem:$0x7FF] =	sst s3;
	s4 =	sadd.s32 $0x10600, s7;
	s28 =	smul.u32 $0x4F000, s0  }
0x7: {  	s31 =	sshll.u32 s0, $0x6;
	s1 =	sor.u32 s6, s26;
	s8 =	smul.u32 $0x13C000, s6  }
0x8: {  	s6 =	ssub.s32 $0x2, s6;
	s5 =	smul.u32 $0x500, s1;
	s1 =	rddreg [dreg:$0x2]  }
0x9: {  	_ =	strace $0x8000004D;
	s29 =	sshrl.u32 s6, $0x1;
	s30 =	sshrl.u32 s28, $0x2  }
0xa: {  	s8 =	sadd.s32 s9, s8;
	s12 =	ssub.s32 s6, s29;
	s13 =	sadd.s32 s30, s2  }
0xb: {  	s6 =	sor.u32 $0x1C02, s31;
	s10 =	sadd.s32 s5, s7;
	s8 =	sshrl.u32 s8, $0x3  }
0xc: {  	s5 =	sadd.s32 $0xDE00, s7;
	s11 =	sadd.s32 s8, s7;
	s7 =	sadd.s32 $0x5FE00, s10  }
0xd: {  	s8 =	sadd.s32 $0x3E00, s10;
	s10 =	smax.u32 s12, $0x1;
	s12 =	simm.s32 $0x2  }
0xe: {  	s9 =	sadd.s32 $0x69E00, s11;
	s11 =	sshrl.u32 s13, $0x3;
	s13 =	simm.s32 $0x2800  }
.LBB2_1:
0xf: {  	[spmem:s11], [sflag:s6] =	dma.local [hbm:s5], $0x2780  }
0x10: {  	_ =	swait.ge [sflag:s12], $0x2780  }
0x11: {  	[sflag:s12] =	ssyncset.done $0x0  }
0x12: {  	[sflag:s12] =	ssyncadd.s32 $0xFFFFD880  }
0x13: {  	[tilespmem:s3], [sflag:$0x2] =	stream.linear.gather [hbm4b:s7+s3], $0x2780, $0x38;
	[tilespmem:$0x1CC00] =	vst v63  }
0x14: {  	_ =	swait.ge [sflag:s12], $0x2780  }
0x15: {  	[sflag:s12] =	ssyncset.done $0x0  }
0x16: {  	[sflag:s12] =	ssyncadd.s32 $0xFFFFD880  }
0x17: {  	[tilespmem:s13], [sflag:$0x2] =	stream.linear.gather [hbm4b:s8+s3], $0x2780, $0x38;
	[tilespmem:$0x1CC00] =	vst v63  }
0x18: {  	_ =	swait.ge [sflag:s12], $0x2780  }
0x19: {  	[sflag:s12] =	ssyncset.done $0x0  }
0x1a: {  	[sflag:s12] =	ssyncadd.s32 $0xFFFFD880  }
0x1b: {  	s18 =	simm.s32 $0x0;
	[bflag:$0x0] =	sbarrier.arrive $0xFFFF  }
0x1c: {  	[tilespmem:s15], [sflag:$0x1] =	stream.indirect.gather [hbm4b:s4+s14], $0x80, s18, s14, $0xb8;
	[tilespmem:$0x1CC00] =	vst v63  }
0x1d: {  	_ =	swait.ge [sflag:s16], $0x4000  }
0x1e: {  	[sflag:s16] =	ssyncset.done $0x0  }
0x1f: {  	s31 =	simm.s32 $0x2800;
	[sflag:s16] =	ssyncadd.s32 $0xFFFFC000  }
0x20: {  	[spmem:s2] =	stream.indirect.scatter.add.f32 [tilespmem:s15], [sflag:$0x2], $0x80, s31, s14, $0xb8;
	[tilespmem:$0x1CC00] =	vst v63  }
0x21: {  	_ =	swait.ge [sflag:s12], $0x4000  }
0x22: {  	s19 =	simm.s32 $0x400;
	s18 =	simm.s32 $0x200;
	[sflag:s12] =	ssyncset.done $0x0  }
.LBB2_2:
0x23: {  	s20 =	sshra.s32 s18, $0x2  }
0x24: {  	[sflag:s12] =	ssyncadd.s32 $0xFFFFC000;
	s18 =	smov.u32 s19;
	s21 =	sadd.s32 $0x200, s19  }
0x25: {  	[tilespmem:s15], [sflag:$0x1] =	stream.indirect.gather [hbm4b:s4+s14], $0x80, s20, s14, $0xb8;
	[tilespmem:$0x1CC00] =	vst v63  }
0x26: {  	p0 =	sne.s32 s19, $0x9C00;
	_ =	swait.ge [sflag:s16], $0x4000  }
.Ltmp0:
0x27: {  	[sflag:s16] =	ssyncset.done $0x0;
	(pc) =	sbr.rel @p0 .LBB2_2-.Ltmp0, $4  }
0x28: {  	s19 =	sadd.s32 $0x2800, s20;
	[sflag:s16] =	ssyncadd.s32 $0xFFFFC000  }
0x29: {  	[spmem:s2] =	stream.indirect.scatter.add.f32 [tilespmem:s15], [sflag:$0x2], $0x80, s19, s14, $0xb8;
	[tilespmem:$0x1CC00] =	vst v63  }
0x2a: {  	_ =	swait.ge [sflag:s12], $0x4000  }
0x2b: {  	s19 =	smov.u32 s21;
	[sflag:s12] =	ssyncset.done $0x0  }
0x2c: {  	s18 =	sshra.s32 s18, $0x2;
	[sflag:s12] =	ssyncadd.s32 $0xFFFFC000  }
0x2d: {  	[tilespmem:s15], [sflag:$0x1] =	stream.indirect.gather [hbm4b:s4+s14], $0x80, s18, s14, $0xb8;
	[tilespmem:$0x1CC00] =	vst v63  }
0x2e: {  	_ =	swait.ge [sflag:s16], $0x4000  }
0x2f: {  	[sflag:s16] =	ssyncset.done $0x0  }
0x30: {  	s18 =	sadd.s32 $0x2800, s18;
	[sflag:s16] =	ssyncadd.s32 $0xFFFFC000  }
0x31: {  	[spmem:s2] =	stream.indirect.scatter.add.f32 [tilespmem:s15], [sflag:$0x2], $0x80, s18, s14, $0xb8;
	[tilespmem:$0x1CC00] =	vst v63  }
0x32: {  	_ =	swait.ge [sflag:s12], $0x4000  }
0x33: {  	s17 =	sadd.s32 $0x1, s17;
	[sflag:s12] =	ssyncset.done $0x0  }
0x34: {  	p0 =	sne.s32 s17, s10;
	[sflag:s12] =	ssyncadd.s32 $0xFFFFC000  }
.Ltmp1:
0x35: {  	[bflag:$0x0] =	sbarrier.arrive $0xFFFF;
	(pc) =	sbr.rel @p0 .LBB2_1-.Ltmp1, $4  }
0x36: {  	[hbm:s9], [sflag:s6] =	dma.local [spmem:s11], $0x2780  }
0x37: {  	_ =	swait.ge [sflag:s12], $0x2780  }
0x38: {  	[sflag:s12] =	ssyncset.done $0x0  }
0x39: {  	[sflag:s12] =	ssyncadd.s32 $0xFFFFD880  }
0x3a: {  	_ =	sfence.sel $0x180000  }
0x3b: {  	[bflag:$0x0] =	sbarrier.arrive $0xFFFF  }
0x3c: {  	p0 =	sne.s32 s0, $0x0;
	_ =	strace $0x9000004D  }
0x3d: {  	s0 =	sadd.s32 @!p0 $0x100000, s1;
	[bflag:$0x2] =	sbarrier.arrive $0xFFFF  }
0x3e: {  	[sflag:s0] =	ssyncadd.tile.s32 @!p0 $0x1;
	_ =	shalt  }
.Lfunc_end2:
_tile_overlayer_lowered:
.L_overlay_start_2:
0x3f: {  	(tag) =	ssettag $0x2  }
0x40: {  	s0 =	rddreg [dreg:$0x0];
	s2 =	stileid.u32  }
0x41: {  	s1 =	rddreg [dreg:$0x1];
	p0 =	sne.s32 s2, $0x0  }
0x42: {  	s3 =	rddreg [dreg:$0x2];
	[bflag:$0x3] =	sbarrier.arrive $0xFFFF;
	s2 =	simm.s32 @!p0 $0x1C02  }
0x43: {  	[timem:s3], [sflag:s2] =	dma.local @!p0 [hbm:s0], s1  }
0x44: {  	s0 =	simm.s32 @!p0 $0x2  }
0x45: {  	_ =	swait.ge @!p0 [sflag:s0], s1  }
0x46: {  	s1 =	ssub.s32 @!p0 $0x0, s1;
	[sflag:s0] =	ssyncset.done @!p0 $0x0  }
0x47: {  	[sflag:s0] =	ssyncadd.s32 @!p0 s1  }
0x48: {  	[bflag:$0x3] =	sbarrier.arrive $0xFFFF  }
0x49: {  	_ =	shalt  }

// kernel: kernel.9.cloned.1.call-start
scs
__scs_entry_jumppad:
0x0: {  	(pc) =	sbr.rel $0x88, $3  }
0x1: {  	(tag) =	ssettag $0x0;
	lr =	simm.s32 $0x1  }
0x2: {  	[smem:$0x3F96] =	sst lr;
	_ =	strace $0xD0000000  }
0x3: {  	_ = 	snop  }
0x4: {  	_ = 	snop  }
0x5: {  	_ = 	snop  }
0x6: {  	_ = 	snop  }
0x7: {  	_ = 	snop  }
__scs_overlays_trampoline_lowered:
0x8: {  	[smem:$0x3FA5] =	sst s0  }
0x9: {  	[smem:$0x3FA6] =	sst s1  }
0xa: {  	[smem:$0x3FA7] =	sst s2  }
0xb: {  	[smem:$0x3FA8] =	sst s3  }
0xc: {  	[smem:$0x3FA9] =	sst s4  }
0xd: {  	[smem:$0x3FAA] =	sst s5  }
0xe: {  	[smem:$0x3FAB] =	sst s6  }
0xf: {  	[smem:$0x3FAC] =	sst s7  }
0x10: {  	[smem:$0x3FAD] =	sst s8  }
0x11: {  	[smem:$0x3FAE] =	sst s9;
	s0 =	simm.s32 @!p0 $0x0  }
0x12: {  	s1 =	sld [smem:$0x3F94];
	s0 =	simm.s32 @p0 $0x1  }
0x13: {  	[smem:$0x3FAF] =	sst s0;
	s0 =	simm.s32 @!p1 $0x0  }
0x14: {  	s2 =	sld [smem:$0x3F93];
	s0 =	simm.s32 @p1 $0x1  }
0x15: {  	[smem:$0x3FB0] =	sst s0;
	s0 =	simm.s32 @!p2 $0x0  }
0x16: {  	s3 =	sld [smem:$0x3FDB];
	s0 =	simm.s32 @p2 $0x1  }
0x17: {  	s4 =	simm.s32 $0x1BF5;
	[smem:$0x3FB2] =	sst s0  }
0x18: {  	s0 =	sld [smem:$0x3F95];
	_ =	swait.ge [sflag:s4], $0x0  }
0x19: {  	s7 =	sld [smem:$0x3F96]  }
0x1a: {  	s8 =	sadd.s32 $0xFFFFE003, lr  }
0x1b: {  	s9 =	sadd.s32 $0xFFFFFEF7, lr;
	s5 =	simm.s32 $0xFFFFFFFF;
	p2 =	slt.u32 s8, $0xFFFFF086  }
0x1c: {  	p1 =	slt.u32 s9, $0xF7A;
	s5 =	simm.s32 @!p2 $0x0  }
0x1d: {  	s5 =	simm.s32 @p1 $0x1;
	p0 =	seq.s32 s7, s2  }
0x1e: {  	s7 =	smul.u32 @!p0 $0xF7A, s2;
	p2 =	seq.s32 @!p0 s5, $0x0  }
0x1f: {  	s9 =	smul.u32 $0xF7A, s1;
	s8 =	simm.s32 @!p0 $0x1BF5;
	p2 =	por !p2, p0  }
0x20: {  	[sflag:s8] =	ssyncset.s32 @!p0 $0xFFFFF086;
	s6 =	sadd.s32 @!p0 s3, s7;
	s7 =	simm.s32 @!p0 $0x108  }
0x21: {  	s3 =	sadd.s32 s3, s9;
	s6 =	sadd.s32 @!p0 $0x88, s6;
	s7 =	simm.s32 @p2 $0x1082  }
0x22: {  	[simem:s7], [sflag:s8] =	dma.local @!p0 [hbm:s6], $0xF7A  }
0x23: {  	s9 =	sor.u32 $0xD0000000, s2;
	s6 =	simm.s32 $0x108;
	_ =	swait.ge @!p0 [sflag:s8], $0x0  }
0x24: {  	s3 =	sadd.s32 $0x88, s3;
	s6 =	simm.s32 @!p1 $0x1082;
	[sflag:s4] =	ssyncset.s32 $0xFFFFF086  }
0x25: {  	[simem:s6], [sflag:s4] =	dma.local [hbm:s3], $0xF7A  }
0x26: {  	[smem:$0x3F96] =	sst s1;
	(tag) =	ssettag s2;
	_ =	strace s9  }
0x27: {  	s1 =	sld [smem:$0x3FA6]  }
0x28: {  	s2 =	sld [smem:$0x3FA7]  }
0x29: {  	s4 =	sld [smem:$0x3FA9]  }
0x2a: {  	p0 =	seq.s32 s5, $0x0;
	s5 =	sld [smem:$0x3FAA]  }
0x2b: {  	s6 =	sld [smem:$0x3FAB]  }
0x2c: {  	s7 =	sld [smem:$0x3FAC]  }
0x2d: {  	s3 =	simm.s32 $0x108;
	s8 =	sld [smem:$0x3FAD]  }
0x2e: {  	s3 =	simm.s32 @!p0 $0x1082;
	s9 =	sld [smem:$0x3FAE]  }
0x2f: {  	lr =	sadd.s32 s0, s3;
	s0 =	sld [smem:$0x3FA5]  }
0x30: {  	s3 =	sld [smem:$0x3FA8]  }
0x31: {  	[smem:$0x3FB1] =	sst s10  }
0x32: {  	s10 =	sld [smem:$0x3FAF];
	_ =	sdelay $0x3  }
0x33: {  	p0 =	seq.s32 s10, $0x1;
	s10 =	sld [smem:$0x3FB1];
	_ =	sdelay $0x3  }
0x34: {  	[smem:$0x3FB1] =	sst s10  }
0x35: {  	s10 =	sld [smem:$0x3FB0];
	_ =	sdelay $0x3  }
0x36: {  	p1 =	seq.s32 s10, $0x1;
	s10 =	sld [smem:$0x3FB1];
	_ =	sdelay $0x3  }
0x37: {  	[smem:$0x3FB1] =	sst s10  }
0x38: {  	s10 =	sld [smem:$0x3FB2]  }
0x39: {  	_ = 	snop;
	(pc) =	sbr.ind lr, $3  }
0x3a: {  	_ = 	snop  }
0x3b: {  	_ = 	snop  }
0x3c: {  	p2 =	seq.s32 s10, $0x1;
	s10 =	sld [smem:$0x3FB1]  }
0x3d: {  	_ =	shalt  }
0x3e: {  	_ =	shalt  }
0x3f: {  	_ =	shalt  }
0x40: {  	_ =	shalt  }
0x41: {  	_ =	shalt  }
0x42: {  	_ =	shalt  }
0x43: {  	_ =	shalt  }
0x44: {  	_ =	shalt  }
0x45: {  	_ =	shalt  }
0x46: {  	_ =	shalt  }
0x47: {  	_ =	shalt  }
0x48: {  	_ =	shalt  }
0x49: {  	_ =	shalt  }
0x4a: {  	_ =	shalt  }
0x4b: {  	_ =	shalt  }
0x4c: {  	_ =	shalt  }
0x4d: {  	_ =	shalt  }
0x4e: {  	_ =	shalt  }
0x4f: {  	_ =	shalt  }
0x50: {  	_ =	shalt  }
0x51: {  	_ =	shalt  }
0x52: {  	_ =	shalt  }
0x53: {  	_ =	shalt  }
0x54: {  	_ =	shalt  }
0x55: {  	_ =	shalt  }
0x56: {  	_ =	shalt  }
0x57: {  	_ =	shalt  }
0x58: {  	_ =	shalt  }
0x59: {  	_ =	shalt  }
0x5a: {  	_ =	shalt  }
0x5b: {  	_ =	shalt  }
0x5c: {  	_ =	shalt  }
0x5d: {  	_ =	shalt  }
0x5e: {  	_ =	shalt  }
0x5f: {  	_ =	shalt  }
0x60: {  	_ =	shalt  }
0x61: {  	_ =	shalt  }
0x62: {  	_ =	shalt  }
0x63: {  	_ =	shalt  }
0x64: {  	_ =	shalt  }
0x65: {  	_ =	shalt  }
0x66: {  	_ =	shalt  }
0x67: {  	_ =	shalt  }
0x68: {  	_ =	shalt  }
0x69: {  	_ =	shalt  }
0x6a: {  	_ =	shalt  }
0x6b: {  	_ =	shalt  }
0x6c: {  	_ =	shalt  }
0x6d: {  	_ =	shalt  }
0x6e: {  	_ =	shalt  }
0x6f: {  	_ =	shalt  }
0x70: {  	_ =	shalt  }
0x71: {  	_ =	shalt  }
0x72: {  	_ =	shalt  }
0x73: {  	_ =	shalt  }
0x74: {  	_ =	shalt  }
0x75: {  	_ =	shalt  }
0x76: {  	_ =	shalt  }
0x77: {  	_ =	shalt  }
0x78: {  	_ =	shalt  }
0x79: {  	_ =	shalt  }
0x7a: {  	_ =	shalt  }
0x7b: {  	_ =	shalt  }
0x7c: {  	_ =	shalt  }
0x7d: {  	_ =	shalt  }
0x7e: {  	_ =	shalt  }
0x7f: {  	_ =	shalt  }
0x80: {  	_ =	shalt  }
0x81: {  	_ =	shalt  }
0x82: {  	_ =	shalt  }
0x83: {  	_ =	shalt  }
0x84: {  	_ =	shalt  }
0x85: {  	_ =	shalt  }
0x86: {  	_ =	shalt  }
0x87: {  	_ =	shalt  }
.Lfunc_end0:
.L_simem_size_0:
called_computation_lowered:
.L_overlay_start_0:
0x88: {  	s2 =	sld [smem:$0x3FD9]  }
0x89: {  	s3 =	sld [smem:$0x3FFE];
	_ =	sdelay $0x1  }
0x8a: {  	s1 =	srdreg.scid  }
0x8b: {  	s0 =	sand.u32 $0x1, s1  }
0x8c: {  	s16 =	sshll.u32 s0, $0xA;
	s2 =	sadd.s32 s3, s2  }
0x8d: {  	s2 =	sadd.s32 s2, s16  }
0x8e: {  	[smem:$0x3FBD] =	sst s2  }
0x8f: {  	_ = 	snop  }
0x90: {  	(tm) =	ssettm $0x1  }
0x91: {  	s17 =	sld [smem:$0x3FFB];
	_ =	sdelay $0x3  }
0x92: {  	_ =	strace s17  }
0x93: {  	s2 =	sld [smem:$0x3FFC];
	_ =	sdelay $0x3  }
0x94: {  	_ =	strace s2  }
0x95: {  	s2 =	sld [smem:$0x3FFD];
	_ =	sdelay $0x3  }
0x96: {  	_ =	strace s2  }
0x97: {  	_ =	strace $0x8FFFFFFF  }
0x98: {  	s18 =	sld [smem:$0x3FDB];
	_ =	sdelay $0x1  }
0x99: {  	s19 =	simm.s32 $_scs_section_size  }
0x9a: {  	s4 =	simm.s32 $_size__tile_overlayer_lowered;
	s5 =	simm.s32 $_tile_overlayer_lowered  }
0x9b: {  	s22 =	simm.s32 $0x1BFF;
	s21 =	sshll.u32 s5, $0x1;
	s2 =	sadd.s32 s19, s18  }
0x9c: {  	s6 =	simm.s32 $0x0;
	s20 =	sshll.u32 s4, $0x1;
	s4 =	sadd.s32 s21, s2  }
0x9d: {  	[timem:s6], [sflag:s22] =	dma.local [hbm:s4], s20  }
0x9e: {  	_ =	swait.ge [sflag:s22], s20  }
0x9f: {  	s3 =	ssub.s32 $0x0, s20;
	[sflag:s22] =	ssyncset.done $0x0  }
0xa0: {  	[sflag:s22] =	ssyncadd.s32 s3;
	_ =	sdelay $0x1  }
0xa1: {  	s23 =	simm.s32 $0x1B8B  }
0xa2: {  	_ =	swait.ge [sflag:s23], $0x1  }
0xa3: {  	[sflag:s23] =	ssyncset.done $0x0  }
0xa4: {  	s25 =	simm.s32 $0x1B8E;
	s24 =	sld [smem:$0x3FFE];
	[sflag:s23] =	ssyncadd.s32 $0xFFFFFFFF  }
0xa5: {  	s26 =	simm.s32 $execute0_lowered;
	[smem:$0x3FD2] =	sst s25  }
0xa6: {  	s4 =	sshll.u32 s26, $0x1;
	_ =	strace $0x80000046;
	[dreg:$0x1] =	wrdreg $0xFFFFFFFF  }
0xa7: {  	s28 =	simm.s32 $_size_execute0_lowered;
	s2 =	sadd.s32 s2, s4;
	[dreg:$0x0] =	wrdreg $0x0  }
0xa8: {  	s4 =	sshll.u32 s28, $0x1;
	[dreg:$0x2] =	wrdreg s2  }
0xa9: {  	[dreg:$0x3] =	wrdreg s4  }
0xaa: {  	[dreg:$0x4] =	wrdreg $0xC0  }
0xab: {  	_ =	task [dreg:s6], $0x5FFFF  }
0xac: {  	[dreg:$0x1] =	wrdreg $0xFFFFFFFF  }
0xad: {  	[dreg:$0x0] =	wrdreg $0x60  }
0xae: {  	[dreg:$0x2] =	wrdreg s24  }
0xaf: {  	[dreg:$0x3] =	wrdreg $0x68000  }
0xb0: {  	[dreg:$0x4] =	wrdreg $0x9  }
0xb1: {  	_ =	task.clear_ibuf [dreg:s6], $0x5FFFF;
	_ =	strace $0x90000046  }
0xb2: {  	s29 =	simm.s32 $0x9;
	_ =	strace $0x80000048  }
0xb3: {  	_ =	swait.ge [sflag:s29], $0x1  }
0xb4: {  	[sflag:s29] =	ssyncadd.s32 $0xFFFFFFFF  }
0xb5: {  	_ =	strace $0x90000048  }
0xb6: {  	_ =	sfence  }
0xb7: {  	s30 =	sld [smem:$0x0];
	_ =	sdelay $0x2  }
0xb8: {  	s31 =	sshll.u32 s1, $0xD;
	s1 =	sshrl.u32 s1, $0x2  }
0xb9: {  	s3 =	sand.u32 $0x4000, s31;
	s1 =	sadd.s32 s1, s30  }
0xba: {  	s0 =	sor.u32 s3, s0;
	s1 =	sshll.u32 s1, $0x11  }
0xbb: {  	s0 =	sor.u32 s1, s0  }
0xbc: {  	s0 =	sadd.s32 $0x8F2B, s0  }
0xbd: {  	[sflag:s0] =	ssyncadd.remote.s32 $0x1  }
0xbe: {  	_ =	sfence.sel $0xFFFF  }
0xbf: {  	[dreg:$0x0] =	wrdreg $0xFFFFFFFF;
	(pc) =	sbr.abs _section_cstart, $3  }
0xc0: {  	[dreg:$0x1] =	wrdreg $0xFFFFFFFF  }
0xc1: {  	_ =	task.clear_ibuf [dreg:s6], $0x2FFFF;
	_ =	strace $0x9FFFFFFF  }
0xc2: {  	(tm) =	ssettm $0x7FFFFFFF  }
0xc3: {  	_ =	shalt  }
tec
execute0_lowered:
.L_overlay_start_1:
0x0: {  	(tag) =	ssettag $0x1  }
0x1: {  	s1 =	srdreg.scid  }
0x2: {  	s0 =	stileid.u32;
	s7 =	rddreg [dreg:$0x0]  }
0x3: {  	s2 =	rddreg [dreg:$0x1];
	s3 =	simm.s32 $0x0;
	s12 =	simm.s32 $0x2800  }
0x4: {  	s13 =	simm.s32 $0x80;
	s14 =	simm.s32 $0x0;
	s8 =	smul.u32 $0x13C00, s0  }
0x5: {  	s6 =	sand.u32 $0x1, s1;
	s29 =	sshll.u32 s0, $0x1;
	s10 =	smul.u32 $0x4F000, s0  }
0x6: {  	[smem:$0x7FF] =	sst s3;
	s1 =	sor.u32 s6, s29;
	s5 =	smul.u32 $0x13C000, s6  }
0x7: {  	s31 =	sshll.u32 s0, $0x6;
	s6 =	ssub.s32 $0x2, s6;
	s4 =	smul.u32 $0x500, s1  }
0x8: {  	s1 =	rddreg [dreg:$0x2];
	_ =	strace $0x80000047;
	s30 =	sshrl.u32 s6, $0x1  }
0x9: {  	s10 =	sshrl.u32 s10, $0x2;
	s8 =	sadd.s32 s8, s5;
	s5 =	sadd.s32 $0x10600, s7  }
0xa: {  	s11 =	ssub.s32 s6, s30;
	s10 =	sadd.s32 s10, s2;
	s6 =	sor.u32 $0x1C01, s31  }
0xb: {  	s9 =	sadd.s32 s4, s7;
	s4 =	sadd.s32 $0xDE00, s7;
	s8 =	sshrl.u32 s8, $0x3  }
0xc: {  	s10 =	sshrl.u32 s10, $0x3;
	s8 =	sadd.s32 s8, s7;
	s7 =	sadd.s32 $0x3E00, s9  }
0xd: {  	s9 =	smax.u32 s11, $0x1;
	s11 =	simm.s32 $0x1;
	s8 =	sadd.s32 $0x10E00, s8  }
.LBB2_1:
0xe: {  	[spmem:s10], [sflag:s6] =	dma.local [hbm:s4], $0x2780  }
0xf: {  	_ =	swait.ge [sflag:s11], $0x2780  }
0x10: {  	[sflag:s11] =	ssyncset.done $0x0  }
0x11: {  	[sflag:s11] =	ssyncadd.s32 $0xFFFFD880  }
0x12: {  	[tilespmem:s3], [sflag:$0x1] =	stream.linear.gather [hbm4b:s7+s3], $0x2780, $0x38;
	[tilespmem:$0x1A400] =	vst v63  }
0x13: {  	_ =	swait.ge [sflag:s11], $0x2780  }
0x14: {  	[sflag:s11] =	ssyncset.done $0x0  }
0x15: {  	[sflag:s11] =	ssyncadd.s32 $0xFFFFD880  }
0x16: {  	[tilespmem:s12], [sflag:$0x1] =	stream.linear.gather [hbm4b:s5+s3], $0x4000, $0x38;
	[tilespmem:$0x1A400] =	vst v63  }
0x17: {  	_ =	swait.ge [sflag:s11], $0x4000  }
0x18: {  	[sflag:s11] =	ssyncset.done $0x0  }
0x19: {  	[sflag:s11] =	ssyncadd.s32 $0xFFFFC000  }
0x1a: {  	s15 =	simm.s32 $0x0;
	[bflag:$0x0] =	sbarrier.arrive $0xFFFF  }
0x1b: {  	[spmem:s2] =	stream.indirect.scatter.add.f32 [tilespmem:s12], [sflag:$0x1], $0x80, s15, s13, $0xb8;
	[tilespmem:$0x1A400] =	vst v63  }
0x1c: {  	_ =	swait.ge [sflag:s11], $0x4000  }
0x1d: {  	s15 =	simm.s32 $0x200;
	[sflag:s11] =	ssyncset.done $0x0  }
.LBB2_2:
0x1e: {  	s16 =	sshra.s32 s15, $0x2;
	[sflag:s11] =	ssyncadd.s32 $0xFFFFC000;
	p0 =	sne.s32 s15, $0x9C00  }
0x1f: {  	[spmem:s2] =	stream.indirect.scatter.add.f32 [tilespmem:s12], [sflag:$0x1], $0x80, s16, s13, $0xb8;
	[tilespmem:$0x1A400] =	vst v63  }
.Ltmp0:
0x20: {  	_ = 	snop;
	(pc) =	sbr.rel @p0 .LBB2_2-.Ltmp0, $4  }
0x21: {  	_ = 	snop  }
0x22: {  	s15 =	sadd.s32 $0x200, s15  }
0x23: {  	_ =	swait.ge [sflag:s11], $0x4000  }
0x24: {  	[sflag:s11] =	ssyncset.done $0x0  }
0x25: {  	s14 =	sadd.s32 $0x1, s14  }
0x26: {  	[sflag:s11] =	ssyncadd.s32 $0xFFFFC000;
	p0 =	sne.s32 s14, s9  }
.Ltmp1:
0x27: {  	[bflag:$0x0] =	sbarrier.arrive $0xFFFF;
	(pc) =	sbr.rel @p0 .LBB2_1-.Ltmp1, $4  }
0x28: {  	[hbm:s8], [sflag:s6] =	dma.local [spmem:s10], $0x2780  }
0x29: {  	_ =	swait.ge [sflag:s11], $0x2780  }
0x2a: {  	[sflag:s11] =	ssyncset.done $0x0  }
0x2b: {  	[sflag:s11] =	ssyncadd.s32 $0xFFFFD880  }
0x2c: {  	_ =	sfence.sel $0x180000  }
0x2d: {  	[bflag:$0x0] =	sbarrier.arrive $0xFFFF  }
0x2e: {  	p0 =	sne.s32 s0, $0x0;
	_ =	strace $0x90000047  }
0x2f: {  	s0 =	sadd.s32 @!p0 $0x100000, s1;
	[bflag:$0x2] =	sbarrier.arrive $0xFFFF  }
0x30: {  	[sflag:s0] =	ssyncadd.tile.s32 @!p0 $0x1;
	_ =	shalt  }
.Lfunc_end2:
_tile_overlayer_lowered:
.L_overlay_start_2:
0x31: {  	(tag) =	ssettag $0x2  }
0x32: {  	s0 =	rddreg [dreg:$0x0];
	s2 =	stileid.u32  }
0x33: {  	s1 =	rddreg [dreg:$0x1];
	p0 =	sne.s32 s2, $0x0  }
0x34: {  	s3 =	rddreg [dreg:$0x2];
	[bflag:$0x3] =	sbarrier.arrive $0xFFFF;
	s2 =	simm.s32 @!p0 $0x1C01  }
0x35: {  	[timem:s3], [sflag:s2] =	dma.local @!p0 [hbm:s0], s1  }
0x36: {  	s0 =	simm.s32 @!p0 $0x1  }
0x37: {  	_ =	swait.ge @!p0 [sflag:s0], s1  }
0x38: {  	s1 =	ssub.s32 @!p0 $0x0, s1;
	[sflag:s0] =	ssyncset.done @!p0 $0x0  }
0x39: {  	[sflag:s0] =	ssyncadd.s32 @!p0 s1  }
0x3a: {  	[bflag:$0x3] =	sbarrier.arrive $0xFFFF  }
0x3b: {  	_ =	shalt  }

</sc_bundles>
